<compile_context>
chip_gen: v7x
topology: tpu7x:2x2x1
jax: 0.10.2.dev20260603
libtpu: 0.0.44.dev20260713+nightly
codegen_flags: <defaults>
</compile_context>

<pallas_src>
import functools

import jax
import jax.numpy as jnp
from jax import lax
from jax.experimental import pallas as pl
from jax.experimental.pallas import tpu as pltpu
from jax.experimental.pallas import tpu_sc as plsc

_R, _D = 1_000_000, 64
_N = 16384
_FLAT = _N * _D

_NC, _NS, _L = 2, 16, 16
_NW = _NC * _NS

_CH = 128
_ROWS = _FLAT // _CH

_G = 2
_JG = _D // _G
_SROWS = _ROWS // _G
_SNR = _SROWS // _NW

_K = 384
_BW = _K * _CH
_NB = -(-7813 // _K)
_OB = _JG * _BW
_TSEG = _NB * _OB


def _relayout_body(in_ref, out_ref):
    x = in_ref[...].reshape(_JG, _K, _CH)
    out_ref[...] = jnp.swapaxes(x, 0, 1).reshape(_OB)


@functools.cache
def _relayout_kernel(g):
    return pl.pallas_call(
        _relayout_body,
        grid=(_NB,),
        in_specs=[pl.BlockSpec((_JG, _BW), lambda c: (g, c))],
        out_specs=pl.BlockSpec((_OB,), lambda c: (c,)),
        out_shape=jax.ShapeDtypeStruct((_TSEG,), jnp.float32),
    )


def _make_gather_body(g):
    def _gather_body(t_hbm, c_hbm, out_hbm, ibuf, gbuf, sem):
        wid = lax.axis_index("s") * _NC + lax.axis_index("c")
        grow0 = g * _SROWS + wid * _SNR
        row0 = wid * _SNR
        pltpu.sync_copy(c_hbm.at[pl.ds(grow0, _SNR), :], ibuf)

        def fire(r, carry):
            jconst = (((grow0 + r) >> 7) & (_JG - 1)) * _CH
            for m in range(_CH // _L):
                sl = pl.ds(m * _L, _L)
                v = ibuf[r, sl]
                ibuf[r, sl] = ((v & ~jnp.int32(127)) << 5) + ((v & 127) + jconst)
            pltpu.async_copy(t_hbm.at[ibuf.at[r]], gbuf.at[r], sem)
            return carry

        lax.fori_loop(0, _SNR, fire, 0)
        pltpu.make_async_copy(out_hbm.at[pl.ds(row0, _SNR), :], gbuf, sem).wait()
        pltpu.sync_copy(gbuf, out_hbm.at[pl.ds(row0, _SNR), :])

    return _gather_body


@functools.cache
def _gather_kernel(g):
    mesh = plsc.VectorSubcoreMesh(
        core_axis_name="c", subcore_axis_name="s", num_cores=_NC, num_subcores=_NS
    )
    return pl.kernel(
        _make_gather_body(g),
        mesh=mesh,
        out_type=jax.ShapeDtypeStruct((_SROWS, _CH), jnp.float32),
        scratch_types=[
            pltpu.VMEM((_SNR, _CH), jnp.int32),
            pltpu.VMEM((_SNR, _CH), jnp.float32),
            pltpu.SemaphoreType.DMA,
        ],
    )


def kernel(t, d, c):
    idx = c + jnp.asarray(d, dtype=c.dtype)
    cflat = idx.T.reshape(_ROWS, _CH)
    tt = t.T
    outs = [_gather_kernel(g)(_relayout_kernel(g)(tt), cflat) for g in range(_G)]
    out = jnp.concatenate(outs, axis=0)
    return out.reshape(_D, _N).T

# --- scband reference (transcript-rebuilt; emitter-appended) ---
"""Pipeline reference for scband-my-module-63634235457735 (READ-ONLY COPY).

The authoritative reference and input builder live on the scoring server;
editing this copy changes nothing except your own understanding.
"""

import jax, jax.numpy as jnp
import numpy as np


def setup_inputs(seed: int = 0) -> dict:
    key = jax.random.key(seed)
    k1, k2 = jax.random.split(key)
    t = jax.random.normal(k1, (1000000, 64), dtype=jnp.float32)
    c = jax.random.randint(k2, (16384, 64), 0, 1000000, dtype=jnp.int32)
    d = 0
    return {"t": t, "d": d, "c": c}


def reference(t, d, c):
    # torch.ops.aten.gather(t, d, c): out[i][j] = t[c[i][j]][j] for d=0
    # jnp.take_along_axis is the exact equivalent of aten.gather
    idx = c + jnp.asarray(d, dtype=c.dtype)
    return jnp.take_along_axis(t, idx, axis=0)

if __name__ == "__main__":
    import jax
    _d = setup_inputs()
    print(jax.jit(kernel)(*tuple(_d.values())))

</pallas_src>

<mosaic_0001>
#map = affine_map<(d0, d1) -> (0)>
#map1 = affine_map<(d0, d1) -> (0, 0)>
module attributes {stable_mosaic.version = 14 : i64} {
  func.func @_gather_body(%arg0: i32, %arg1: i32, %arg2: memref<33030144xf32, #tpu.memory_space<hbm>>, %arg3: memref<8192x128xi32, #tpu.memory_space<hbm>>, %arg4: memref<4096x128xf32, #tpu.memory_space<hbm>>, %arg5: memref<128x128xi32, #tpu.memory_space<vmem>>, %arg6: memref<128x128xf32, #tpu.memory_space<vmem>>, %arg7: memref<!tpu.dma_semaphore, #tpu.memory_space<semaphore_mem>>) attributes {dimension_semantics = [#tpu.dimension_semantics<core_parallel>, #tpu.dimension_semantics<subcore_parallel>], iteration_bounds = array<i64: 2, 16>, scalar_prefetch = 0 : i64, scratch_operands = 3 : i64, tpu.core_type = #tpu.core_type<sc_vector_subcore>, window_params = [{transform_indices = #map}, {transform_indices = #map1}, {transform_indices = #map1}]} {
    %mul3A = arith.constant 2 : i32
    %mul3A_0 = arith.muli %arg1, %mul3A : i32
    %add3A = arith.addi %mul3A_0, %arg0 : i32
    %mul3A_1 = arith.constant 128 : i32
    %mul3A_2 = arith.muli %add3A, %mul3A_1 : i32
    %add3A_3 = arith.constant 4096 : i32
    %add3A_4 = arith.addi %add3A_3, %mul3A_2 : i32
    %mul3A_5 = arith.constant 128 : i32
    %mul3A_6 = arith.muli %add3A, %mul3A_5 : i32
    "tpu.region"() ({
      %run_scoped3A = tpu.sem_alloc : memref<!tpu.dma_semaphore, #tpu.memory_space<semaphore_mem>>
      %dma_start3A = arith.constant 0 : i32
      %dma_start3A_15 = tpu.memref_slice %arg3[%add3A_4, %dma_start3A] : memref<8192x128xi32, #tpu.memory_space<hbm>> -> memref<128x128xi32, #tpu.memory_space<hbm>>
      %dma_start3A_16 = arith.constant 0 : i32
      %dma_start3A_17 = tpu.memref_slice %arg3[%add3A_4, %dma_start3A_16] : memref<8192x128xi32, #tpu.memory_space<hbm>> -> memref<128x128xi32, #tpu.memory_space<hbm>>
      tpu.enqueue_dma source(%dma_start3A_17 : memref<128x128xi32, #tpu.memory_space<hbm>>) target(%arg5 : memref<128x128xi32, #tpu.memory_space<vmem>>) target_semaphore(%run_scoped3A : memref<!tpu.dma_semaphore, #tpu.memory_space<semaphore_mem>>)
      %dma_wait3A_18 = arith.constant 0 : i32
      %dma_wait3A_19 = tpu.memref_slice %arg3[%add3A_4, %dma_wait3A_18] : memref<8192x128xi32, #tpu.memory_space<hbm>> -> memref<128x128xi32, #tpu.memory_space<hbm>>
      %dma_wait3A_20 = arith.constant 0 : i32
      %dma_wait3A_21 = tpu.memref_slice %arg3[%add3A_4, %dma_wait3A_20] : memref<8192x128xi32, #tpu.memory_space<hbm>> -> memref<128x128xi32, #tpu.memory_space<hbm>>
      tpu.wait_dma2 semaphore(%run_scoped3A : memref<!tpu.dma_semaphore, #tpu.memory_space<semaphore_mem>>) src(%dma_wait3A_21 : memref<128x128xi32, #tpu.memory_space<hbm>>) dst(%arg5 : memref<128x128xi32, #tpu.memory_space<vmem>>)
      tpu.yield
    }) : () -> ()
    %scan3A = arith.constant 0 : i32
    %scan3A_7 = arith.constant 0 : i32
    %scan3A_8 = arith.constant 128 : i32
    %scan3A_9 = arith.addi %scan3A_7, %scan3A_8 : i32
    %scan3A_10 = arith.constant 1 : i32
    scf.for %scan3A_15 = %scan3A_7 to %scan3A_9 step %scan3A_10  : i32 {
      %add3A_16 = arith.addi %add3A_4, %scan3A_15 : i32
      %shift_right_arithmetic3A = arith.constant 7 : i32
      %shift_right_arithmetic3A_17 = arith.shrsi %add3A_16, %shift_right_arithmetic3A : i32
      %and3A = arith.constant 31 : i32
      %and3A_18 = arith.andi %shift_right_arithmetic3A_17, %and3A : i32
      %mul3A_19 = arith.constant 128 : i32
      %mul3A_20 = arith.muli %and3A_18, %mul3A_19 : i32
      %get3A = arith.index_cast %scan3A_15 : i32 to index
      %get3A_21 = arith.constant 0 : index
      %get3A_22 = tpu.vector_load %arg5[%get3A, %get3A_21] {strides = array<i32>} : memref<128x128xi32, #tpu.memory_space<vmem>>, vector<1x16xi32>,
      %get3A_23 = vector.shape_cast %get3A_22 : vector<1x16xi32> to vector<16xi32>
      %not3A = arith.constant 127 : i32
      %not3A_24 = arith.constant -1 : i32
      %not3A_25 = arith.xori %not3A, %not3A_24 : i32
      %and3A_26 = vector.broadcast %not3A_25 : i32 to vector<16xi32>
      %and3A_27 = arith.andi %get3A_23, %and3A_26 : vector<16xi32>
      %shift_left3A = arith.constant 5 : i32
      %shift_left3A_28 = vector.broadcast %shift_left3A : i32 to vector<16xi32>
      %shift_left3A_29 = arith.shli %and3A_27, %shift_left3A_28 : vector<16xi32>
      %and3A_30 = arith.constant 127 : i32
      %and3A_31 = vector.broadcast %and3A_30 : i32 to vector<16xi32>
      %and3A_32 = arith.andi %get3A_23, %and3A_31 : vector<16xi32>
      %add3A_33 = vector.broadcast %mul3A_20 : i32 to vector<16xi32>
      %add3A_34 = arith.addi %and3A_32, %add3A_33 : vector<16xi32>
      %add3A_35 = arith.addi %shift_left3A_29, %add3A_34 : vector<16xi32>
      %swap3A = arith.index_cast %scan3A_15 : i32 to index
      %swap3A_36 = arith.constant 0 : index
      %swap3A_37 = tpu.vector_load %arg5[%swap3A, %swap3A_36] {strides = array<i32>} : memref<128x128xi32, #tpu.memory_space<vmem>>, vector<1x16xi32>,
      %swap3A_38 = vector.shape_cast %swap3A_37 : vector<1x16xi32> to vector<16xi32>
      %swap3A_39 = vector.shape_cast %add3A_35 : vector<16xi32> to vector<1x16xi32>
      tpu.vector_store %arg5[%swap3A, %swap3A_36], %swap3A_39 {strides = array<i32>} : memref<128x128xi32, #tpu.memory_space<vmem>>, vector<1x16xi32>,
      %get3A_40 = arith.index_cast %scan3A_15 : i32 to index
      %get3A_41 = arith.constant 16 : index
      %get3A_42 = tpu.vector_load %arg5[%get3A_40, %get3A_41] {strides = array<i32>} : memref<128x128xi32, #tpu.memory_space<vmem>>, vector<1x16xi32>,
      %get3A_43 = vector.shape_cast %get3A_42 : vector<1x16xi32> to vector<16xi32>
      %not3A_44 = arith.constant 127 : i32
      %not3A_45 = arith.constant -1 : i32
      %not3A_46 = arith.xori %not3A_44, %not3A_45 : i32
      %and3A_47 = vector.broadcast %not3A_46 : i32 to vector<16xi32>
      %and3A_48 = arith.andi %get3A_43, %and3A_47 : vector<16xi32>
      %shift_left3A_49 = arith.constant 5 : i32
      %shift_left3A_50 = vector.broadcast %shift_left3A_49 : i32 to vector<16xi32>
      %shift_left3A_51 = arith.shli %and3A_48, %shift_left3A_50 : vector<16xi32>
      %and3A_52 = arith.constant 127 : i32
      %and3A_53 = vector.broadcast %and3A_52 : i32 to vector<16xi32>
      %and3A_54 = arith.andi %get3A_43, %and3A_53 : vector<16xi32>
      %add3A_55 = vector.broadcast %mul3A_20 : i32 to vector<16xi32>
      %add3A_56 = arith.addi %and3A_54, %add3A_55 : vector<16xi32>
      %add3A_57 = arith.addi %shift_left3A_51, %add3A_56 : vector<16xi32>
      %swap3A_58 = arith.index_cast %scan3A_15 : i32 to index
      %swap3A_59 = arith.constant 16 : index
      %swap3A_60 = tpu.vector_load %arg5[%swap3A_58, %swap3A_59] {strides = array<i32>} : memref<128x128xi32, #tpu.memory_space<vmem>>, vector<1x16xi32>,
      %swap3A_61 = vector.shape_cast %swap3A_60 : vector<1x16xi32> to vector<16xi32>
      %swap3A_62 = vector.shape_cast %add3A_57 : vector<16xi32> to vector<1x16xi32>
      tpu.vector_store %arg5[%swap3A_58, %swap3A_59], %swap3A_62 {strides = array<i32>} : memref<128x128xi32, #tpu.memory_space<vmem>>, vector<1x16xi32>,
      %get3A_63 = arith.index_cast %scan3A_15 : i32 to index
      %get3A_64 = arith.constant 32 : index
      %get3A_65 = tpu.vector_load %arg5[%get3A_63, %get3A_64] {strides = array<i32>} : memref<128x128xi32, #tpu.memory_space<vmem>>, vector<1x16xi32>,
      %get3A_66 = vector.shape_cast %get3A_65 : vector<1x16xi32> to vector<16xi32>
      %not3A_67 = arith.constant 127 : i32
      %not3A_68 = arith.constant -1 : i32
      %not3A_69 = arith.xori %not3A_67, %not3A_68 : i32
      %and3A_70 = vector.broadcast %not3A_69 : i32 to vector<16xi32>
      %and3A_71 = arith.andi %get3A_66, %and3A_70 : vector<16xi32>
      %shift_left3A_72 = arith.constant 5 : i32
      %shift_left3A_73 = vector.broadcast %shift_left3A_72 : i32 to vector<16xi32>
      %shift_left3A_74 = arith.shli %and3A_71, %shift_left3A_73 : vector<16xi32>
      %and3A_75 = arith.constant 127 : i32
      %and3A_76 = vector.broadcast %and3A_75 : i32 to vector<16xi32>
      %and3A_77 = arith.andi %get3A_66, %and3A_76 : vector<16xi32>
      %add3A_78 = vector.broadcast %mul3A_20 : i32 to vector<16xi32>
      %add3A_79 = arith.addi %and3A_77, %add3A_78 : vector<16xi32>
      %add3A_80 = arith.addi %shift_left3A_74, %add3A_79 : vector<16xi32>
      %swap3A_81 = arith.index_cast %scan3A_15 : i32 to index
      %swap3A_82 = arith.constant 32 : index
      %swap3A_83 = tpu.vector_load %arg5[%swap3A_81, %swap3A_82] {strides = array<i32>} : memref<128x128xi32, #tpu.memory_space<vmem>>, vector<1x16xi32>,
      %swap3A_84 = vector.shape_cast %swap3A_83 : vector<1x16xi32> to vector<16xi32>
      %swap3A_85 = vector.shape_cast %add3A_80 : vector<16xi32> to vector<1x16xi32>
      tpu.vector_store %arg5[%swap3A_81, %swap3A_82], %swap3A_85 {strides = array<i32>} : memref<128x128xi32, #tpu.memory_space<vmem>>, vector<1x16xi32>,
      %get3A_86 = arith.index_cast %scan3A_15 : i32 to index
      %get3A_87 = arith.constant 48 : index
      %get3A_88 = tpu.vector_load %arg5[%get3A_86, %get3A_87] {strides = array<i32>} : memref<128x128xi32, #tpu.memory_space<vmem>>, vector<1x16xi32>,
      %get3A_89 = vector.shape_cast %get3A_88 : vector<1x16xi32> to vector<16xi32>
      %not3A_90 = arith.constant 127 : i32
      %not3A_91 = arith.constant -1 : i32
      %not3A_92 = arith.xori %not3A_90, %not3A_91 : i32
      %and3A_93 = vector.broadcast %not3A_92 : i32 to vector<16xi32>
      %and3A_94 = arith.andi %get3A_89, %and3A_93 : vector<16xi32>
      %shift_left3A_95 = arith.constant 5 : i32
      %shift_left3A_96 = vector.broadcast %shift_left3A_95 : i32 to vector<16xi32>
      %shift_left3A_97 = arith.shli %and3A_94, %shift_left3A_96 : vector<16xi32>
      %and3A_98 = arith.constant 127 : i32
      %and3A_99 = vector.broadcast %and3A_98 : i32 to vector<16xi32>
      %and3A_100 = arith.andi %get3A_89, %and3A_99 : vector<16xi32>
      %add3A_101 = vector.broadcast %mul3A_20 : i32 to vector<16xi32>
      %add3A_102 = arith.addi %and3A_100, %add3A_101 : vector<16xi32>
      %add3A_103 = arith.addi %shift_left3A_97, %add3A_102 : vector<16xi32>
      %swap3A_104 = arith.index_cast %scan3A_15 : i32 to index
      %swap3A_105 = arith.constant 48 : index
      %swap3A_106 = tpu.vector_load %arg5[%swap3A_104, %swap3A_105] {strides = array<i32>} : memref<128x128xi32, #tpu.memory_space<vmem>>, vector<1x16xi32>,
      %swap3A_107 = vector.shape_cast %swap3A_106 : vector<1x16xi32> to vector<16xi32>
      %swap3A_108 = vector.shape_cast %add3A_103 : vector<16xi32> to vector<1x16xi32>
      tpu.vector_store %arg5[%swap3A_104, %swap3A_105], %swap3A_108 {strides = array<i32>} : memref<128x128xi32, #tpu.memory_space<vmem>>, vector<1x16xi32>,
      %get3A_109 = arith.index_cast %scan3A_15 : i32 to index
      %get3A_110 = arith.constant 64 : index
      %get3A_111 = tpu.vector_load %arg5[%get3A_109, %get3A_110] {strides = array<i32>} : memref<128x128xi32, #tpu.memory_space<vmem>>, vector<1x16xi32>,
      %get3A_112 = vector.shape_cast %get3A_111 : vector<1x16xi32> to vector<16xi32>
      %not3A_113 = arith.constant 127 : i32
      %not3A_114 = arith.constant -1 : i32
      %not3A_115 = arith.xori %not3A_113, %not3A_114 : i32
      %and3A_116 = vector.broadcast %not3A_115 : i32 to vector<16xi32>
      %and3A_117 = arith.andi %get3A_112, %and3A_116 : vector<16xi32>
      %shift_left3A_118 = arith.constant 5 : i32
      %shift_left3A_119 = vector.broadcast %shift_left3A_118 : i32 to vector<16xi32>
      %shift_left3A_120 = arith.shli %and3A_117, %shift_left3A_119 : vector<16xi32>
      %and3A_121 = arith.constant 127 : i32
      %and3A_122 = vector.broadcast %and3A_121 : i32 to vector<16xi32>
      %and3A_123 = arith.andi %get3A_112, %and3A_122 : vector<16xi32>
      %add3A_124 = vector.broadcast %mul3A_20 : i32 to vector<16xi32>
      %add3A_125 = arith.addi %and3A_123, %add3A_124 : vector<16xi32>
      %add3A_126 = arith.addi %shift_left3A_120, %add3A_125 : vector<16xi32>
      %swap3A_127 = arith.index_cast %scan3A_15 : i32 to index
      %swap3A_128 = arith.constant 64 : index
      %swap3A_129 = tpu.vector_load %arg5[%swap3A_127, %swap3A_128] {strides = array<i32>} : memref<128x128xi32, #tpu.memory_space<vmem>>, vector<1x16xi32>,
      %swap3A_130 = vector.shape_cast %swap3A_129 : vector<1x16xi32> to vector<16xi32>
      %swap3A_131 = vector.shape_cast %add3A_126 : vector<16xi32> to vector<1x16xi32>
      tpu.vector_store %arg5[%swap3A_127, %swap3A_128], %swap3A_131 {strides = array<i32>} : memref<128x128xi32, #tpu.memory_space<vmem>>, vector<1x16xi32>,
      %get3A_132 = arith.index_cast %scan3A_15 : i32 to index
      %get3A_133 = arith.constant 80 : index
      %get3A_134 = tpu.vector_load %arg5[%get3A_132, %get3A_133] {strides = array<i32>} : memref<128x128xi32, #tpu.memory_space<vmem>>, vector<1x16xi32>,
      %get3A_135 = vector.shape_cast %get3A_134 : vector<1x16xi32> to vector<16xi32>
      %not3A_136 = arith.constant 127 : i32
      %not3A_137 = arith.constant -1 : i32
      %not3A_138 = arith.xori %not3A_136, %not3A_137 : i32
      %and3A_139 = vector.broadcast %not3A_138 : i32 to vector<16xi32>
      %and3A_140 = arith.andi %get3A_135, %and3A_139 : vector<16xi32>
      %shift_left3A_141 = arith.constant 5 : i32
      %shift_left3A_142 = vector.broadcast %shift_left3A_141 : i32 to vector<16xi32>
      %shift_left3A_143 = arith.shli %and3A_140, %shift_left3A_142 : vector<16xi32>
      %and3A_144 = arith.constant 127 : i32
      %and3A_145 = vector.broadcast %and3A_144 : i32 to vector<16xi32>
      %and3A_146 = arith.andi %get3A_135, %and3A_145 : vector<16xi32>
      %add3A_147 = vector.broadcast %mul3A_20 : i32 to vector<16xi32>
      %add3A_148 = arith.addi %and3A_146, %add3A_147 : vector<16xi32>
      %add3A_149 = arith.addi %shift_left3A_143, %add3A_148 : vector<16xi32>
      %swap3A_150 = arith.index_cast %scan3A_15 : i32 to index
      %swap3A_151 = arith.constant 80 : index
      %swap3A_152 = tpu.vector_load %arg5[%swap3A_150, %swap3A_151] {strides = array<i32>} : memref<128x128xi32, #tpu.memory_space<vmem>>, vector<1x16xi32>,
      %swap3A_153 = vector.shape_cast %swap3A_152 : vector<1x16xi32> to vector<16xi32>
      %swap3A_154 = vector.shape_cast %add3A_149 : vector<16xi32> to vector<1x16xi32>
      tpu.vector_store %arg5[%swap3A_150, %swap3A_151], %swap3A_154 {strides = array<i32>} : memref<128x128xi32, #tpu.memory_space<vmem>>, vector<1x16xi32>,
      %get3A_155 = arith.index_cast %scan3A_15 : i32 to index
      %get3A_156 = arith.constant 96 : index
      %get3A_157 = tpu.vector_load %arg5[%get3A_155, %get3A_156] {strides = array<i32>} : memref<128x128xi32, #tpu.memory_space<vmem>>, vector<1x16xi32>,
      %get3A_158 = vector.shape_cast %get3A_157 : vector<1x16xi32> to vector<16xi32>
      %not3A_159 = arith.constant 127 : i32
      %not3A_160 = arith.constant -1 : i32
      %not3A_161 = arith.xori %not3A_159, %not3A_160 : i32
      %and3A_162 = vector.broadcast %not3A_161 : i32 to vector<16xi32>
      %and3A_163 = arith.andi %get3A_158, %and3A_162 : vector<16xi32>
      %shift_left3A_164 = arith.constant 5 : i32
      %shift_left3A_165 = vector.broadcast %shift_left3A_164 : i32 to vector<16xi32>
      %shift_left3A_166 = arith.shli %and3A_163, %shift_left3A_165 : vector<16xi32>
      %and3A_167 = arith.constant 127 : i32
      %and3A_168 = vector.broadcast %and3A_167 : i32 to vector<16xi32>
      %and3A_169 = arith.andi %get3A_158, %and3A_168 : vector<16xi32>
      %add3A_170 = vector.broadcast %mul3A_20 : i32 to vector<16xi32>
      %add3A_171 = arith.addi %and3A_169, %add3A_170 : vector<16xi32>
      %add3A_172 = arith.addi %shift_left3A_166, %add3A_171 : vector<16xi32>
      %swap3A_173 = arith.index_cast %scan3A_15 : i32 to index
      %swap3A_174 = arith.constant 96 : index
      %swap3A_175 = tpu.vector_load %arg5[%swap3A_173, %swap3A_174] {strides = array<i32>} : memref<128x128xi32, #tpu.memory_space<vmem>>, vector<1x16xi32>,
      %swap3A_176 = vector.shape_cast %swap3A_175 : vector<1x16xi32> to vector<16xi32>
      %swap3A_177 = vector.shape_cast %add3A_172 : vector<16xi32> to vector<1x16xi32>
      tpu.vector_store %arg5[%swap3A_173, %swap3A_174], %swap3A_177 {strides = array<i32>} : memref<128x128xi32, #tpu.memory_space<vmem>>, vector<1x16xi32>,
      %get3A_178 = arith.index_cast %scan3A_15 : i32 to index
      %get3A_179 = arith.constant 112 : index
      %get3A_180 = tpu.vector_load %arg5[%get3A_178, %get3A_179] {strides = array<i32>} : memref<128x128xi32, #tpu.memory_space<vmem>>, vector<1x16xi32>,
      %get3A_181 = vector.shape_cast %get3A_180 : vector<1x16xi32> to vector<16xi32>
      %not3A_182 = arith.constant 127 : i32
      %not3A_183 = arith.constant -1 : i32
      %not3A_184 = arith.xori %not3A_182, %not3A_183 : i32
      %and3A_185 = vector.broadcast %not3A_184 : i32 to vector<16xi32>
      %and3A_186 = arith.andi %get3A_181, %and3A_185 : vector<16xi32>
      %shift_left3A_187 = arith.constant 5 : i32
      %shift_left3A_188 = vector.broadcast %shift_left3A_187 : i32 to vector<16xi32>
      %shift_left3A_189 = arith.shli %and3A_186, %shift_left3A_188 : vector<16xi32>
      %and3A_190 = arith.constant 127 : i32
      %and3A_191 = vector.broadcast %and3A_190 : i32 to vector<16xi32>
      %and3A_192 = arith.andi %get3A_181, %and3A_191 : vector<16xi32>
      %add3A_193 = vector.broadcast %mul3A_20 : i32 to vector<16xi32>
      %add3A_194 = arith.addi %and3A_192, %add3A_193 : vector<16xi32>
      %add3A_195 = arith.addi %shift_left3A_189, %add3A_194 : vector<16xi32>
      %swap3A_196 = arith.index_cast %scan3A_15 : i32 to index
      %swap3A_197 = arith.constant 112 : index
      %swap3A_198 = tpu.vector_load %arg5[%swap3A_196, %swap3A_197] {strides = array<i32>} : memref<128x128xi32, #tpu.memory_space<vmem>>, vector<1x16xi32>,
      %swap3A_199 = vector.shape_cast %swap3A_198 : vector<1x16xi32> to vector<16xi32>
      %swap3A_200 = vector.shape_cast %add3A_195 : vector<16xi32> to vector<1x16xi32>
      tpu.vector_store %arg5[%swap3A_196, %swap3A_197], %swap3A_200 {strides = array<i32>} : memref<128x128xi32, #tpu.memory_space<vmem>>, vector<1x16xi32>,
      %dma_start3A = arith.constant 0 : i32
      %dma_start3A_201 = tpu.memref_slice %arg6[%scan3A_15, %dma_start3A] : memref<128x128xf32, #tpu.memory_space<vmem>> -> memref<1x128xf32, #tpu.memory_space<vmem>>
      %dma_start3A_202 = tpu.memref_squeeze %dma_start3A_201 : memref<1x128xf32, #tpu.memory_space<vmem>> -> memref<128xf32, #tpu.memory_space<vmem>>
      %dma_start3A_203 = arith.constant 0 : i32
      %dma_start3A_204 = tpu.memref_slice %arg5[%scan3A_15, %dma_start3A_203] : memref<128x128xi32, #tpu.memory_space<vmem>> -> memref<1x128xi32, #tpu.memory_space<vmem>>
      %dma_start3A_205 = tpu.memref_squeeze %dma_start3A_204 : memref<1x128xi32, #tpu.memory_space<vmem>> -> memref<128xi32, #tpu.memory_space<vmem>>
      %dma_start3A_206 = arith.constant 0 : i32
      %dma_start3A_207 = tpu.memref_slice %arg2[%dma_start3A_206] : memref<33030144xf32, #tpu.memory_space<hbm>> -> memref<33030144xf32, #tpu.memory_space<hbm>>
      tpu.enqueue_indirect_dma source(%dma_start3A_207 : memref<33030144xf32, #tpu.memory_space<hbm>>) target(%dma_start3A_202 : memref<128xf32, #tpu.memory_space<vmem>>) offsets(%dma_start3A_205 : memref<128xi32, #tpu.memory_space<vmem>>) semaphore(%arg7 : memref<!tpu.dma_semaphore, #tpu.memory_space<semaphore_mem>>)
    }
    %scan3A_11 = arith.constant 128 : i32
    %dma_wait3A = arith.constant 0 : i32
    %dma_wait3A_12 = tpu.memref_slice %arg4[%mul3A_6, %dma_wait3A] : memref<4096x128xf32, #tpu.memory_space<hbm>> -> memref<128x128xf32, #tpu.memory_space<hbm>>
    %dma_wait3A_13 = arith.constant 0 : i32
    %dma_wait3A_14 = tpu.memref_slice %arg4[%mul3A_6, %dma_wait3A_13] : memref<4096x128xf32, #tpu.memory_space<hbm>> -> memref<128x128xf32, #tpu.memory_space<hbm>>
    tpu.wait_dma2 semaphore(%arg7 : memref<!tpu.dma_semaphore, #tpu.memory_space<semaphore_mem>>) src(%dma_wait3A_14 : memref<128x128xf32, #tpu.memory_space<hbm>>) dst(%arg6 : memref<128x128xf32, #tpu.memory_space<vmem>>)
    "tpu.region"() ({
      %run_scoped3A = tpu.sem_alloc : memref<!tpu.dma_semaphore, #tpu.memory_space<semaphore_mem>>
      %dma_start3A = arith.constant 0 : i32
      %dma_start3A_15 = tpu.memref_slice %arg4[%mul3A_6, %dma_start3A] : memref<4096x128xf32, #tpu.memory_space<hbm>> -> memref<128x128xf32, #tpu.memory_space<hbm>>
      %dma_start3A_16 = arith.constant 0 : i32
      %dma_start3A_17 = tpu.memref_slice %arg4[%mul3A_6, %dma_start3A_16] : memref<4096x128xf32, #tpu.memory_space<hbm>> -> memref<128x128xf32, #tpu.memory_space<hbm>>
      tpu.enqueue_dma source(%arg6 : memref<128x128xf32, #tpu.memory_space<vmem>>) target(%dma_start3A_17 : memref<128x128xf32, #tpu.memory_space<hbm>>) target_semaphore(%run_scoped3A : memref<!tpu.dma_semaphore, #tpu.memory_space<semaphore_mem>>)
      %dma_wait3A_18 = arith.constant 0 : i32
      %dma_wait3A_19 = tpu.memref_slice %arg4[%mul3A_6, %dma_wait3A_18] : memref<4096x128xf32, #tpu.memory_space<hbm>> -> memref<128x128xf32, #tpu.memory_space<hbm>>
      %dma_wait3A_20 = arith.constant 0 : i32
      %dma_wait3A_21 = tpu.memref_slice %arg4[%mul3A_6, %dma_wait3A_20] : memref<4096x128xf32, #tpu.memory_space<hbm>> -> memref<128x128xf32, #tpu.memory_space<hbm>>
      tpu.wait_dma2 semaphore(%run_scoped3A : memref<!tpu.dma_semaphore, #tpu.memory_space<semaphore_mem>>) src(%arg6 : memref<128x128xf32, #tpu.memory_space<vmem>>) dst(%dma_wait3A_21 : memref<128x128xf32, #tpu.memory_space<hbm>>)
      tpu.yield
    }) : () -> ()
    return
  }
}

#map = affine_map<(d0, d1) -> (0)>
#map1 = affine_map<(d0, d1) -> (0, 0)>
module attributes {stable_mosaic.version = 14 : i64} {
  func.func @_gather_body(%arg0: i32, %arg1: i32, %arg2: memref<33030144xf32, #tpu.memory_space<hbm>>, %arg3: memref<8192x128xi32, #tpu.memory_space<hbm>>, %arg4: memref<4096x128xf32, #tpu.memory_space<hbm>>, %arg5: memref<128x128xi32, #tpu.memory_space<vmem>>, %arg6: memref<128x128xf32, #tpu.memory_space<vmem>>, %arg7: memref<!tpu.dma_semaphore, #tpu.memory_space<semaphore_mem>>) attributes {dimension_semantics = [#tpu.dimension_semantics<core_parallel>, #tpu.dimension_semantics<subcore_parallel>], iteration_bounds = array<i64: 2, 16>, scalar_prefetch = 0 : i64, scratch_operands = 3 : i64, tpu.core_type = #tpu.core_type<sc_vector_subcore>, window_params = [{transform_indices = #map}, {transform_indices = #map1}, {transform_indices = #map1}]} {
    %mul3A = arith.constant 2 : i32
    %mul3A_0 = arith.muli %arg1, %mul3A : i32
    %add3A = arith.addi %mul3A_0, %arg0 : i32
    %mul3A_1 = arith.constant 128 : i32
    %mul3A_2 = arith.muli %add3A, %mul3A_1 : i32
    %add3A_3 = arith.constant 0 : i32
    %add3A_4 = arith.addi %add3A_3, %mul3A_2 : i32
    %mul3A_5 = arith.constant 128 : i32
    %mul3A_6 = arith.muli %add3A, %mul3A_5 : i32
    "tpu.region"() ({
      %run_scoped3A = tpu.sem_alloc : memref<!tpu.dma_semaphore, #tpu.memory_space<semaphore_mem>>
      %dma_start3A = arith.constant 0 : i32
      %dma_start3A_15 = tpu.memref_slice %arg3[%add3A_4, %dma_start3A] : memref<8192x128xi32, #tpu.memory_space<hbm>> -> memref<128x128xi32, #tpu.memory_space<hbm>>
      %dma_start3A_16 = arith.constant 0 : i32
      %dma_start3A_17 = tpu.memref_slice %arg3[%add3A_4, %dma_start3A_16] : memref<8192x128xi32, #tpu.memory_space<hbm>> -> memref<128x128xi32, #tpu.memory_space<hbm>>
      tpu.enqueue_dma source(%dma_start3A_17 : memref<128x128xi32, #tpu.memory_space<hbm>>) target(%arg5 : memref<128x128xi32, #tpu.memory_space<vmem>>) target_semaphore(%run_scoped3A : memref<!tpu.dma_semaphore, #tpu.memory_space<semaphore_mem>>)
      %dma_wait3A_18 = arith.constant 0 : i32
      %dma_wait3A_19 = tpu.memref_slice %arg3[%add3A_4, %dma_wait3A_18] : memref<8192x128xi32, #tpu.memory_space<hbm>> -> memref<128x128xi32, #tpu.memory_space<hbm>>
      %dma_wait3A_20 = arith.constant 0 : i32
      %dma_wait3A_21 = tpu.memref_slice %arg3[%add3A_4, %dma_wait3A_20] : memref<8192x128xi32, #tpu.memory_space<hbm>> -> memref<128x128xi32, #tpu.memory_space<hbm>>
      tpu.wait_dma2 semaphore(%run_scoped3A : memref<!tpu.dma_semaphore, #tpu.memory_space<semaphore_mem>>) src(%dma_wait3A_21 : memref<128x128xi32, #tpu.memory_space<hbm>>) dst(%arg5 : memref<128x128xi32, #tpu.memory_space<vmem>>)
      tpu.yield
    }) : () -> ()
    %scan3A = arith.constant 0 : i32
    %scan3A_7 = arith.constant 0 : i32
    %scan3A_8 = arith.constant 128 : i32
    %scan3A_9 = arith.addi %scan3A_7, %scan3A_8 : i32
    %scan3A_10 = arith.constant 1 : i32
    scf.for %scan3A_15 = %scan3A_7 to %scan3A_9 step %scan3A_10  : i32 {
      %add3A_16 = arith.addi %add3A_4, %scan3A_15 : i32
      %shift_right_arithmetic3A = arith.constant 7 : i32
      %shift_right_arithmetic3A_17 = arith.shrsi %add3A_16, %shift_right_arithmetic3A : i32
      %and3A = arith.constant 31 : i32
      %and3A_18 = arith.andi %shift_right_arithmetic3A_17, %and3A : i32
      %mul3A_19 = arith.constant 128 : i32
      %mul3A_20 = arith.muli %and3A_18, %mul3A_19 : i32
      %get3A = arith.index_cast %scan3A_15 : i32 to index
      %get3A_21 = arith.constant 0 : index
      %get3A_22 = tpu.vector_load %arg5[%get3A, %get3A_21] {strides = array<i32>} : memref<128x128xi32, #tpu.memory_space<vmem>>, vector<1x16xi32>,
      %get3A_23 = vector.shape_cast %get3A_22 : vector<1x16xi32> to vector<16xi32>
      %not3A = arith.constant 127 : i32
      %not3A_24 = arith.constant -1 : i32
      %not3A_25 = arith.xori %not3A, %not3A_24 : i32
      %and3A_26 = vector.broadcast %not3A_25 : i32 to vector<16xi32>
      %and3A_27 = arith.andi %get3A_23, %and3A_26 : vector<16xi32>
      %shift_left3A = arith.constant 5 : i32
      %shift_left3A_28 = vector.broadcast %shift_left3A : i32 to vector<16xi32>
      %shift_left3A_29 = arith.shli %and3A_27, %shift_left3A_28 : vector<16xi32>
      %and3A_30 = arith.constant 127 : i32
      %and3A_31 = vector.broadcast %and3A_30 : i32 to vector<16xi32>
      %and3A_32 = arith.andi %get3A_23, %and3A_31 : vector<16xi32>
      %add3A_33 = vector.broadcast %mul3A_20 : i32 to vector<16xi32>
      %add3A_34 = arith.addi %and3A_32, %add3A_33 : vector<16xi32>
      %add3A_35 = arith.addi %shift_left3A_29, %add3A_34 : vector<16xi32>
      %swap3A = arith.index_cast %scan3A_15 : i32 to index
      %swap3A_36 = arith.constant 0 : index
      %swap3A_37 = tpu.vector_load %arg5[%swap3A, %swap3A_36] {strides = array<i32>} : memref<128x128xi32, #tpu.memory_space<vmem>>, vector<1x16xi32>,
      %swap3A_38 = vector.shape_cast %swap3A_37 : vector<1x16xi32> to vector<16xi32>
      %swap3A_39 = vector.shape_cast %add3A_35 : vector<16xi32> to vector<1x16xi32>
      tpu.vector_store %arg5[%swap3A, %swap3A_36], %swap3A_39 {strides = array<i32>} : memref<128x128xi32, #tpu.memory_space<vmem>>, vector<1x16xi32>,
      %get3A_40 = arith.index_cast %scan3A_15 : i32 to index
      %get3A_41 = arith.constant 16 : index
      %get3A_42 = tpu.vector_load %arg5[%get3A_40, %get3A_41] {strides = array<i32>} : memref<128x128xi32, #tpu.memory_space<vmem>>, vector<1x16xi32>,
      %get3A_43 = vector.shape_cast %get3A_42 : vector<1x16xi32> to vector<16xi32>
      %not3A_44 = arith.constant 127 : i32
      %not3A_45 = arith.constant -1 : i32
      %not3A_46 = arith.xori %not3A_44, %not3A_45 : i32
      %and3A_47 = vector.broadcast %not3A_46 : i32 to vector<16xi32>
      %and3A_48 = arith.andi %get3A_43, %and3A_47 : vector<16xi32>
      %shift_left3A_49 = arith.constant 5 : i32
      %shift_left3A_50 = vector.broadcast %shift_left3A_49 : i32 to vector<16xi32>
      %shift_left3A_51 = arith.shli %and3A_48, %shift_left3A_50 : vector<16xi32>
      %and3A_52 = arith.constant 127 : i32
      %and3A_53 = vector.broadcast %and3A_52 : i32 to vector<16xi32>
      %and3A_54 = arith.andi %get3A_43, %and3A_53 : vector<16xi32>
      %add3A_55 = vector.broadcast %mul3A_20 : i32 to vector<16xi32>
      %add3A_56 = arith.addi %and3A_54, %add3A_55 : vector<16xi32>
      %add3A_57 = arith.addi %shift_left3A_51, %add3A_56 : vector<16xi32>
      %swap3A_58 = arith.index_cast %scan3A_15 : i32 to index
      %swap3A_59 = arith.constant 16 : index
      %swap3A_60 = tpu.vector_load %arg5[%swap3A_58, %swap3A_59] {strides = array<i32>} : memref<128x128xi32, #tpu.memory_space<vmem>>, vector<1x16xi32>,
      %swap3A_61 = vector.shape_cast %swap3A_60 : vector<1x16xi32> to vector<16xi32>
      %swap3A_62 = vector.shape_cast %add3A_57 : vector<16xi32> to vector<1x16xi32>
      tpu.vector_store %arg5[%swap3A_58, %swap3A_59], %swap3A_62 {strides = array<i32>} : memref<128x128xi32, #tpu.memory_space<vmem>>, vector<1x16xi32>,
      %get3A_63 = arith.index_cast %scan3A_15 : i32 to index
      %get3A_64 = arith.constant 32 : index
      %get3A_65 = tpu.vector_load %arg5[%get3A_63, %get3A_64] {strides = array<i32>} : memref<128x128xi32, #tpu.memory_space<vmem>>, vector<1x16xi32>,
      %get3A_66 = vector.shape_cast %get3A_65 : vector<1x16xi32> to vector<16xi32>
      %not3A_67 = arith.constant 127 : i32
      %not3A_68 = arith.constant -1 : i32
      %not3A_69 = arith.xori %not3A_67, %not3A_68 : i32
      %and3A_70 = vector.broadcast %not3A_69 : i32 to vector<16xi32>
      %and3A_71 = arith.andi %get3A_66, %and3A_70 : vector<16xi32>
      %shift_left3A_72 = arith.constant 5 : i32
      %shift_left3A_73 = vector.broadcast %shift_left3A_72 : i32 to vector<16xi32>
      %shift_left3A_74 = arith.shli %and3A_71, %shift_left3A_73 : vector<16xi32>
      %and3A_75 = arith.constant 127 : i32
      %and3A_76 = vector.broadcast %and3A_75 : i32 to vector<16xi32>
      %and3A_77 = arith.andi %get3A_66, %and3A_76 : vector<16xi32>
      %add3A_78 = vector.broadcast %mul3A_20 : i32 to vector<16xi32>
      %add3A_79 = arith.addi %and3A_77, %add3A_78 : vector<16xi32>
      %add3A_80 = arith.addi %shift_left3A_74, %add3A_79 : vector<16xi32>
      %swap3A_81 = arith.index_cast %scan3A_15 : i32 to index
      %swap3A_82 = arith.constant 32 : index
      %swap3A_83 = tpu.vector_load %arg5[%swap3A_81, %swap3A_82] {strides = array<i32>} : memref<128x128xi32, #tpu.memory_space<vmem>>, vector<1x16xi32>,
      %swap3A_84 = vector.shape_cast %swap3A_83 : vector<1x16xi32> to vector<16xi32>
      %swap3A_85 = vector.shape_cast %add3A_80 : vector<16xi32> to vector<1x16xi32>
      tpu.vector_store %arg5[%swap3A_81, %swap3A_82], %swap3A_85 {strides = array<i32>} : memref<128x128xi32, #tpu.memory_space<vmem>>, vector<1x16xi32>,
      %get3A_86 = arith.index_cast %scan3A_15 : i32 to index
      %get3A_87 = arith.constant 48 : index
      %get3A_88 = tpu.vector_load %arg5[%get3A_86, %get3A_87] {strides = array<i32>} : memref<128x128xi32, #tpu.memory_space<vmem>>, vector<1x16xi32>,
      %get3A_89 = vector.shape_cast %get3A_88 : vector<1x16xi32> to vector<16xi32>
      %not3A_90 = arith.constant 127 : i32
      %not3A_91 = arith.constant -1 : i32
      %not3A_92 = arith.xori %not3A_90, %not3A_91 : i32
      %and3A_93 = vector.broadcast %not3A_92 : i32 to vector<16xi32>
      %and3A_94 = arith.andi %get3A_89, %and3A_93 : vector<16xi32>
      %shift_left3A_95 = arith.constant 5 : i32
      %shift_left3A_96 = vector.broadcast %shift_left3A_95 : i32 to vector<16xi32>
      %shift_left3A_97 = arith.shli %and3A_94, %shift_left3A_96 : vector<16xi32>
      %and3A_98 = arith.constant 127 : i32
      %and3A_99 = vector.broadcast %and3A_98 : i32 to vector<16xi32>
      %and3A_100 = arith.andi %get3A_89, %and3A_99 : vector<16xi32>
      %add3A_101 = vector.broadcast %mul3A_20 : i32 to vector<16xi32>
      %add3A_102 = arith.addi %and3A_100, %add3A_101 : vector<16xi32>
      %add3A_103 = arith.addi %shift_left3A_97, %add3A_102 : vector<16xi32>
      %swap3A_104 = arith.index_cast %scan3A_15 : i32 to index
      %swap3A_105 = arith.constant 48 : index
      %swap3A_106 = tpu.vector_load %arg5[%swap3A_104, %swap3A_105] {strides = array<i32>} : memref<128x128xi32, #tpu.memory_space<vmem>>, vector<1x16xi32>,
      %swap3A_107 = vector.shape_cast %swap3A_106 : vector<1x16xi32> to vector<16xi32>
      %swap3A_108 = vector.shape_cast %add3A_103 : vector<16xi32> to vector<1x16xi32>
      tpu.vector_store %arg5[%swap3A_104, %swap3A_105], %swap3A_108 {strides = array<i32>} : memref<128x128xi32, #tpu.memory_space<vmem>>, vector<1x16xi32>,
      %get3A_109 = arith.index_cast %scan3A_15 : i32 to index
      %get3A_110 = arith.constant 64 : index
      %get3A_111 = tpu.vector_load %arg5[%get3A_109, %get3A_110] {strides = array<i32>} : memref<128x128xi32, #tpu.memory_space<vmem>>, vector<1x16xi32>,
      %get3A_112 = vector.shape_cast %get3A_111 : vector<1x16xi32> to vector<16xi32>
      %not3A_113 = arith.constant 127 : i32
      %not3A_114 = arith.constant -1 : i32
      %not3A_115 = arith.xori %not3A_113, %not3A_114 : i32
      %and3A_116 = vector.broadcast %not3A_115 : i32 to vector<16xi32>
      %and3A_117 = arith.andi %get3A_112, %and3A_116 : vector<16xi32>
      %shift_left3A_118 = arith.constant 5 : i32
      %shift_left3A_119 = vector.broadcast %shift_left3A_118 : i32 to vector<16xi32>
      %shift_left3A_120 = arith.shli %and3A_117, %shift_left3A_119 : vector<16xi32>
      %and3A_121 = arith.constant 127 : i32
      %and3A_122 = vector.broadcast %and3A_121 : i32 to vector<16xi32>
      %and3A_123 = arith.andi %get3A_112, %and3A_122 : vector<16xi32>
      %add3A_124 = vector.broadcast %mul3A_20 : i32 to vector<16xi32>
      %add3A_125 = arith.addi %and3A_123, %add3A_124 : vector<16xi32>
      %add3A_126 = arith.addi %shift_left3A_120, %add3A_125 : vector<16xi32>
      %swap3A_127 = arith.index_cast %scan3A_15 : i32 to index
      %swap3A_128 = arith.constant 64 : index
      %swap3A_129 = tpu.vector_load %arg5[%swap3A_127, %swap3A_128] {strides = array<i32>} : memref<128x128xi32, #tpu.memory_space<vmem>>, vector<1x16xi32>,
      %swap3A_130 = vector.shape_cast %swap3A_129 : vector<1x16xi32> to vector<16xi32>
      %swap3A_131 = vector.shape_cast %add3A_126 : vector<16xi32> to vector<1x16xi32>
      tpu.vector_store %arg5[%swap3A_127, %swap3A_128], %swap3A_131 {strides = array<i32>} : memref<128x128xi32, #tpu.memory_space<vmem>>, vector<1x16xi32>,
      %get3A_132 = arith.index_cast %scan3A_15 : i32 to index
      %get3A_133 = arith.constant 80 : index
      %get3A_134 = tpu.vector_load %arg5[%get3A_132, %get3A_133] {strides = array<i32>} : memref<128x128xi32, #tpu.memory_space<vmem>>, vector<1x16xi32>,
      %get3A_135 = vector.shape_cast %get3A_134 : vector<1x16xi32> to vector<16xi32>
      %not3A_136 = arith.constant 127 : i32
      %not3A_137 = arith.constant -1 : i32
      %not3A_138 = arith.xori %not3A_136, %not3A_137 : i32
      %and3A_139 = vector.broadcast %not3A_138 : i32 to vector<16xi32>
      %and3A_140 = arith.andi %get3A_135, %and3A_139 : vector<16xi32>
      %shift_left3A_141 = arith.constant 5 : i32
      %shift_left3A_142 = vector.broadcast %shift_left3A_141 : i32 to vector<16xi32>
      %shift_left3A_143 = arith.shli %and3A_140, %shift_left3A_142 : vector<16xi32>
      %and3A_144 = arith.constant 127 : i32
      %and3A_145 = vector.broadcast %and3A_144 : i32 to vector<16xi32>
      %and3A_146 = arith.andi %get3A_135, %and3A_145 : vector<16xi32>
      %add3A_147 = vector.broadcast %mul3A_20 : i32 to vector<16xi32>
      %add3A_148 = arith.addi %and3A_146, %add3A_147 : vector<16xi32>
      %add3A_149 = arith.addi %shift_left3A_143, %add3A_148 : vector<16xi32>
      %swap3A_150 = arith.index_cast %scan3A_15 : i32 to index
      %swap3A_151 = arith.constant 80 : index
      %swap3A_152 = tpu.vector_load %arg5[%swap3A_150, %swap3A_151] {strides = array<i32>} : memref<128x128xi32, #tpu.memory_space<vmem>>, vector<1x16xi32>,
      %swap3A_153 = vector.shape_cast %swap3A_152 : vector<1x16xi32> to vector<16xi32>
      %swap3A_154 = vector.shape_cast %add3A_149 : vector<16xi32> to vector<1x16xi32>
      tpu.vector_store %arg5[%swap3A_150, %swap3A_151], %swap3A_154 {strides = array<i32>} : memref<128x128xi32, #tpu.memory_space<vmem>>, vector<1x16xi32>,
      %get3A_155 = arith.index_cast %scan3A_15 : i32 to index
      %get3A_156 = arith.constant 96 : index
      %get3A_157 = tpu.vector_load %arg5[%get3A_155, %get3A_156] {strides = array<i32>} : memref<128x128xi32, #tpu.memory_space<vmem>>, vector<1x16xi32>,
      %get3A_158 = vector.shape_cast %get3A_157 : vector<1x16xi32> to vector<16xi32>
      %not3A_159 = arith.constant 127 : i32
      %not3A_160 = arith.constant -1 : i32
      %not3A_161 = arith.xori %not3A_159, %not3A_160 : i32
      %and3A_162 = vector.broadcast %not3A_161 : i32 to vector<16xi32>
      %and3A_163 = arith.andi %get3A_158, %and3A_162 : vector<16xi32>
      %shift_left3A_164 = arith.constant 5 : i32
      %shift_left3A_165 = vector.broadcast %shift_left3A_164 : i32 to vector<16xi32>
      %shift_left3A_166 = arith.shli %and3A_163, %shift_left3A_165 : vector<16xi32>
      %and3A_167 = arith.constant 127 : i32
      %and3A_168 = vector.broadcast %and3A_167 : i32 to vector<16xi32>
      %and3A_169 = arith.andi %get3A_158, %and3A_168 : vector<16xi32>
      %add3A_170 = vector.broadcast %mul3A_20 : i32 to vector<16xi32>
      %add3A_171 = arith.addi %and3A_169, %add3A_170 : vector<16xi32>
      %add3A_172 = arith.addi %shift_left3A_166, %add3A_171 : vector<16xi32>
      %swap3A_173 = arith.index_cast %scan3A_15 : i32 to index
      %swap3A_174 = arith.constant 96 : index
      %swap3A_175 = tpu.vector_load %arg5[%swap3A_173, %swap3A_174] {strides = array<i32>} : memref<128x128xi32, #tpu.memory_space<vmem>>, vector<1x16xi32>,
      %swap3A_176 = vector.shape_cast %swap3A_175 : vector<1x16xi32> to vector<16xi32>
      %swap3A_177 = vector.shape_cast %add3A_172 : vector<16xi32> to vector<1x16xi32>
      tpu.vector_store %arg5[%swap3A_173, %swap3A_174], %swap3A_177 {strides = array<i32>} : memref<128x128xi32, #tpu.memory_space<vmem>>, vector<1x16xi32>,
      %get3A_178 = arith.index_cast %scan3A_15 : i32 to index
      %get3A_179 = arith.constant 112 : index
      %get3A_180 = tpu.vector_load %arg5[%get3A_178, %get3A_179] {strides = array<i32>} : memref<128x128xi32, #tpu.memory_space<vmem>>, vector<1x16xi32>,
      %get3A_181 = vector.shape_cast %get3A_180 : vector<1x16xi32> to vector<16xi32>
      %not3A_182 = arith.constant 127 : i32
      %not3A_183 = arith.constant -1 : i32
      %not3A_184 = arith.xori %not3A_182, %not3A_183 : i32
      %and3A_185 = vector.broadcast %not3A_184 : i32 to vector<16xi32>
      %and3A_186 = arith.andi %get3A_181, %and3A_185 : vector<16xi32>
      %shift_left3A_187 = arith.constant 5 : i32
      %shift_left3A_188 = vector.broadcast %shift_left3A_187 : i32 to vector<16xi32>
      %shift_left3A_189 = arith.shli %and3A_186, %shift_left3A_188 : vector<16xi32>
      %and3A_190 = arith.constant 127 : i32
      %and3A_191 = vector.broadcast %and3A_190 : i32 to vector<16xi32>
      %and3A_192 = arith.andi %get3A_181, %and3A_191 : vector<16xi32>
      %add3A_193 = vector.broadcast %mul3A_20 : i32 to vector<16xi32>
      %add3A_194 = arith.addi %and3A_192, %add3A_193 : vector<16xi32>
      %add3A_195 = arith.addi %shift_left3A_189, %add3A_194 : vector<16xi32>
      %swap3A_196 = arith.index_cast %scan3A_15 : i32 to index
      %swap3A_197 = arith.constant 112 : index
      %swap3A_198 = tpu.vector_load %arg5[%swap3A_196, %swap3A_197] {strides = array<i32>} : memref<128x128xi32, #tpu.memory_space<vmem>>, vector<1x16xi32>,
      %swap3A_199 = vector.shape_cast %swap3A_198 : vector<1x16xi32> to vector<16xi32>
      %swap3A_200 = vector.shape_cast %add3A_195 : vector<16xi32> to vector<1x16xi32>
      tpu.vector_store %arg5[%swap3A_196, %swap3A_197], %swap3A_200 {strides = array<i32>} : memref<128x128xi32, #tpu.memory_space<vmem>>, vector<1x16xi32>,
      %dma_start3A = arith.constant 0 : i32
      %dma_start3A_201 = tpu.memref_slice %arg6[%scan3A_15, %dma_start3A] : memref<128x128xf32, #tpu.memory_space<vmem>> -> memref<1x128xf32, #tpu.memory_space<vmem>>
      %dma_start3A_202 = tpu.memref_squeeze %dma_start3A_201 : memref<1x128xf32, #tpu.memory_space<vmem>> -> memref<128xf32, #tpu.memory_space<vmem>>
      %dma_start3A_203 = arith.constant 0 : i32
      %dma_start3A_204 = tpu.memref_slice %arg5[%scan3A_15, %dma_start3A_203] : memref<128x128xi32, #tpu.memory_space<vmem>> -> memref<1x128xi32, #tpu.memory_space<vmem>>
      %dma_start3A_205 = tpu.memref_squeeze %dma_start3A_204 : memref<1x128xi32, #tpu.memory_space<vmem>> -> memref<128xi32, #tpu.memory_space<vmem>>
      %dma_start3A_206 = arith.constant 0 : i32
      %dma_start3A_207 = tpu.memref_slice %arg2[%dma_start3A_206] : memref<33030144xf32, #tpu.memory_space<hbm>> -> memref<33030144xf32, #tpu.memory_space<hbm>>
      tpu.enqueue_indirect_dma source(%dma_start3A_207 : memref<33030144xf32, #tpu.memory_space<hbm>>) target(%dma_start3A_202 : memref<128xf32, #tpu.memory_space<vmem>>) offsets(%dma_start3A_205 : memref<128xi32, #tpu.memory_space<vmem>>) semaphore(%arg7 : memref<!tpu.dma_semaphore, #tpu.memory_space<semaphore_mem>>)
    }
    %scan3A_11 = arith.constant 128 : i32
    %dma_wait3A = arith.constant 0 : i32
    %dma_wait3A_12 = tpu.memref_slice %arg4[%mul3A_6, %dma_wait3A] : memref<4096x128xf32, #tpu.memory_space<hbm>> -> memref<128x128xf32, #tpu.memory_space<hbm>>
    %dma_wait3A_13 = arith.constant 0 : i32
    %dma_wait3A_14 = tpu.memref_slice %arg4[%mul3A_6, %dma_wait3A_13] : memref<4096x128xf32, #tpu.memory_space<hbm>> -> memref<128x128xf32, #tpu.memory_space<hbm>>
    tpu.wait_dma2 semaphore(%arg7 : memref<!tpu.dma_semaphore, #tpu.memory_space<semaphore_mem>>) src(%dma_wait3A_14 : memref<128x128xf32, #tpu.memory_space<hbm>>) dst(%arg6 : memref<128x128xf32, #tpu.memory_space<vmem>>)
    "tpu.region"() ({
      %run_scoped3A = tpu.sem_alloc : memref<!tpu.dma_semaphore, #tpu.memory_space<semaphore_mem>>
      %dma_start3A = arith.constant 0 : i32
      %dma_start3A_15 = tpu.memref_slice %arg4[%mul3A_6, %dma_start3A] : memref<4096x128xf32, #tpu.memory_space<hbm>> -> memref<128x128xf32, #tpu.memory_space<hbm>>
      %dma_start3A_16 = arith.constant 0 : i32
      %dma_start3A_17 = tpu.memref_slice %arg4[%mul3A_6, %dma_start3A_16] : memref<4096x128xf32, #tpu.memory_space<hbm>> -> memref<128x128xf32, #tpu.memory_space<hbm>>
      tpu.enqueue_dma source(%arg6 : memref<128x128xf32, #tpu.memory_space<vmem>>) target(%dma_start3A_17 : memref<128x128xf32, #tpu.memory_space<hbm>>) target_semaphore(%run_scoped3A : memref<!tpu.dma_semaphore, #tpu.memory_space<semaphore_mem>>)
      %dma_wait3A_18 = arith.constant 0 : i32
      %dma_wait3A_19 = tpu.memref_slice %arg4[%mul3A_6, %dma_wait3A_18] : memref<4096x128xf32, #tpu.memory_space<hbm>> -> memref<128x128xf32, #tpu.memory_space<hbm>>
      %dma_wait3A_20 = arith.constant 0 : i32
      %dma_wait3A_21 = tpu.memref_slice %arg4[%mul3A_6, %dma_wait3A_20] : memref<4096x128xf32, #tpu.memory_space<hbm>> -> memref<128x128xf32, #tpu.memory_space<hbm>>
      tpu.wait_dma2 semaphore(%run_scoped3A : memref<!tpu.dma_semaphore, #tpu.memory_space<semaphore_mem>>) src(%arg6 : memref<128x128xf32, #tpu.memory_space<vmem>>) dst(%dma_wait3A_21 : memref<128x128xf32, #tpu.memory_space<hbm>>)
      tpu.yield
    }) : () -> ()
    return
  }
}

module attributes {stable_mosaic.version = 14 : i64} {
  func.func @_relayout_body(%arg0: i32, %arg1: memref<32x49152xf32, #tpu.memory_space<vmem>>, %arg2: memref<1572864xf32, #tpu.memory_space<vmem>>) attributes {dimension_semantics = [#tpu.dimension_semantics<arbitrary>], iteration_bounds = array<i64: 21>, scalar_prefetch = 0 : i64, scratch_operands = 0 : i64, tpu.core_type = #tpu.core_type<tc>, window_params = [{transform_indices = @transform_0, window_bounds = array<i64: 32, 49152>}, {transform_indices = @transform_1, window_bounds = array<i64: 1572864>}]} {
    %get3A = arith.constant 0 : index
    %get3A_0 = arith.constant 0 : index
    %get3A_1 = vector.load %arg1[%get3A, %get3A_0] : memref<32x49152xf32, #tpu.memory_space<vmem>>, vector<32x49152xf32>
    %reshape3A = vector.shape_cast %get3A_1 : vector<32x49152xf32> to vector<32x384x128xf32>
    %transpose3A = tpu.transpose %reshape3A, [1, 0, 2] : vector<32x384x128xf32> -> vector<384x32x128xf32>
    %reshape3A_2 = vector.shape_cast %transpose3A : vector<384x32x128xf32> to vector<1572864xf32>
    %swap3A = arith.constant 0 : index
    %swap3A_3 = vector.load %arg2[%swap3A] : memref<1572864xf32, #tpu.memory_space<vmem>>, vector<1572864xf32>
    tpu.vector_store %arg2[%swap3A], %reshape3A_2 {strides = array<i32>} : memref<1572864xf32, #tpu.memory_space<vmem>>, vector<1572864xf32>,
    return
  }
  func.func @transform_0(%arg0: i32) -> (i32, i32) {
    %c0_i32 = arith.constant 0 : i32
    %c0_i32_0 = arith.constant 0 : i32
    return %c0_i32, %arg0 : i32, i32
  }
  func.func @transform_1(%arg0: i32) -> i32 {
    %c0_i32 = arith.constant 0 : i32
    return %arg0 : i32
  }
}

module attributes {stable_mosaic.version = 14 : i64} {
  func.func @_relayout_body(%arg0: i32, %arg1: memref<32x49152xf32, #tpu.memory_space<vmem>>, %arg2: memref<1572864xf32, #tpu.memory_space<vmem>>) attributes {dimension_semantics = [#tpu.dimension_semantics<arbitrary>], iteration_bounds = array<i64: 21>, scalar_prefetch = 0 : i64, scratch_operands = 0 : i64, tpu.core_type = #tpu.core_type<tc>, window_params = [{transform_indices = @transform_0, window_bounds = array<i64: 32, 49152>}, {transform_indices = @transform_1, window_bounds = array<i64: 1572864>}]} {
    %get3A = arith.constant 0 : index
    %get3A_0 = arith.constant 0 : index
    %get3A_1 = vector.load %arg1[%get3A, %get3A_0] : memref<32x49152xf32, #tpu.memory_space<vmem>>, vector<32x49152xf32>
    %reshape3A = vector.shape_cast %get3A_1 : vector<32x49152xf32> to vector<32x384x128xf32>
    %transpose3A = tpu.transpose %reshape3A, [1, 0, 2] : vector<32x384x128xf32> -> vector<384x32x128xf32>
    %reshape3A_2 = vector.shape_cast %transpose3A : vector<384x32x128xf32> to vector<1572864xf32>
    %swap3A = arith.constant 0 : index
    %swap3A_3 = vector.load %arg2[%swap3A] : memref<1572864xf32, #tpu.memory_space<vmem>>, vector<1572864xf32>
    tpu.vector_store %arg2[%swap3A], %reshape3A_2 {strides = array<i32>} : memref<1572864xf32, #tpu.memory_space<vmem>>, vector<1572864xf32>,
    return
  }
  func.func @transform_0(%arg0: i32) -> (i32, i32) {
    %c1_i32 = arith.constant 1 : i32
    %c0_i32 = arith.constant 0 : i32
    return %c1_i32, %arg0 : i32, i32
  }
  func.func @transform_1(%arg0: i32) -> i32 {
    %c0_i32 = arith.constant 0 : i32
    return %arg0 : i32
  }
}

</mosaic_0001>

<sc_bundles>
// kernel: kernel.6.cloned.1.call-start
scs
__scs_entry_jumppad:
0x0: {  	(pc) =	sbr.rel $0x88, $3  }
0x1: {  	(tag) =	ssettag $0x0;
	lr =	simm.s32 $0x1  }
0x2: {  	[smem:$0x3F9E] =	sst lr;
	_ =	strace $0xD0000000  }
0x3: {  	_ = 	snop  }
0x4: {  	_ = 	snop  }
0x5: {  	_ = 	snop  }
0x6: {  	_ = 	snop  }
0x7: {  	_ = 	snop  }
__scs_overlays_trampoline_lowered:
0x8: {  	[smem:$0x3FAD] =	sst s0  }
0x9: {  	[smem:$0x3FAE] =	sst s1  }
0xa: {  	[smem:$0x3FAF] =	sst s2  }
0xb: {  	[smem:$0x3FB0] =	sst s3  }
0xc: {  	[smem:$0x3FB1] =	sst s4  }
0xd: {  	[smem:$0x3FB2] =	sst s5  }
0xe: {  	[smem:$0x3FB3] =	sst s6  }
0xf: {  	[smem:$0x3FB4] =	sst s7  }
0x10: {  	[smem:$0x3FB5] =	sst s8  }
0x11: {  	[smem:$0x3FB6] =	sst s9;
	s0 =	simm.s32 @!p0 $0x0  }
0x12: {  	s1 =	sld [smem:$0x3F9C];
	s0 =	simm.s32 @p0 $0x1  }
0x13: {  	[smem:$0x3FB7] =	sst s0;
	s0 =	simm.s32 @!p1 $0x0  }
0x14: {  	s2 =	sld [smem:$0x3F9B];
	s0 =	simm.s32 @p1 $0x1  }
0x15: {  	[smem:$0x3FB8] =	sst s0;
	s0 =	simm.s32 @!p2 $0x0  }
0x16: {  	s3 =	sld [smem:$0x3FDB];
	s0 =	simm.s32 @p2 $0x1  }
0x17: {  	s4 =	simm.s32 $0x1BF5;
	[smem:$0x3FBA] =	sst s0  }
0x18: {  	s0 =	sld [smem:$0x3F9D];
	_ =	swait.ge [sflag:s4], $0x0  }
0x19: {  	s7 =	sld [smem:$0x3F9E]  }
0x1a: {  	s8 =	sadd.s32 $0xFFFFE003, lr  }
0x1b: {  	s9 =	sadd.s32 $0xFFFFFEF7, lr;
	s5 =	simm.s32 $0xFFFFFFFF;
	p2 =	slt.u32 s8, $0xFFFFF086  }
0x1c: {  	p1 =	slt.u32 s9, $0xF7A;
	s5 =	simm.s32 @!p2 $0x0  }
0x1d: {  	s5 =	simm.s32 @p1 $0x1;
	p0 =	seq.s32 s7, s2  }
0x1e: {  	s7 =	smul.u32 @!p0 $0xF7A, s2;
	p2 =	seq.s32 @!p0 s5, $0x0  }
0x1f: {  	s9 =	smul.u32 $0xF7A, s1;
	s8 =	simm.s32 @!p0 $0x1BF5;
	p2 =	por !p2, p0  }
0x20: {  	[sflag:s8] =	ssyncset.s32 @!p0 $0xFFFFF086;
	s6 =	sadd.s32 @!p0 s3, s7;
	s7 =	simm.s32 @!p0 $0x108  }
0x21: {  	s3 =	sadd.s32 s3, s9;
	s6 =	sadd.s32 @!p0 $0x88, s6;
	s7 =	simm.s32 @p2 $0x1082  }
0x22: {  	[simem:s7], [sflag:s8] =	dma.local @!p0 [hbm:s6], $0xF7A  }
0x23: {  	s9 =	sor.u32 $0xD0000000, s2;
	s6 =	simm.s32 $0x108;
	_ =	swait.ge @!p0 [sflag:s8], $0x0  }
0x24: {  	s3 =	sadd.s32 $0x88, s3;
	s6 =	simm.s32 @!p1 $0x1082;
	[sflag:s4] =	ssyncset.s32 $0xFFFFF086  }
0x25: {  	[simem:s6], [sflag:s4] =	dma.local [hbm:s3], $0xF7A  }
0x26: {  	[smem:$0x3F9E] =	sst s1;
	(tag) =	ssettag s2;
	_ =	strace s9  }
0x27: {  	s1 =	sld [smem:$0x3FAE]  }
0x28: {  	s2 =	sld [smem:$0x3FAF]  }
0x29: {  	s4 =	sld [smem:$0x3FB1]  }
0x2a: {  	p0 =	seq.s32 s5, $0x0;
	s5 =	sld [smem:$0x3FB2]  }
0x2b: {  	s6 =	sld [smem:$0x3FB3]  }
0x2c: {  	s7 =	sld [smem:$0x3FB4]  }
0x2d: {  	s3 =	simm.s32 $0x108;
	s8 =	sld [smem:$0x3FB5]  }
0x2e: {  	s3 =	simm.s32 @!p0 $0x1082;
	s9 =	sld [smem:$0x3FB6]  }
0x2f: {  	lr =	sadd.s32 s0, s3;
	s0 =	sld [smem:$0x3FAD]  }
0x30: {  	s3 =	sld [smem:$0x3FB0]  }
0x31: {  	[smem:$0x3FB9] =	sst s10  }
0x32: {  	s10 =	sld [smem:$0x3FB7];
	_ =	sdelay $0x3  }
0x33: {  	p0 =	seq.s32 s10, $0x1;
	s10 =	sld [smem:$0x3FB9];
	_ =	sdelay $0x3  }
0x34: {  	[smem:$0x3FB9] =	sst s10  }
0x35: {  	s10 =	sld [smem:$0x3FB8];
	_ =	sdelay $0x3  }
0x36: {  	p1 =	seq.s32 s10, $0x1;
	s10 =	sld [smem:$0x3FB9];
	_ =	sdelay $0x3  }
0x37: {  	[smem:$0x3FB9] =	sst s10  }
0x38: {  	s10 =	sld [smem:$0x3FBA]  }
0x39: {  	_ = 	snop;
	(pc) =	sbr.ind lr, $3  }
0x3a: {  	_ = 	snop  }
0x3b: {  	_ = 	snop  }
0x3c: {  	p2 =	seq.s32 s10, $0x1;
	s10 =	sld [smem:$0x3FB9]  }
0x3d: {  	_ =	shalt  }
0x3e: {  	_ =	shalt  }
0x3f: {  	_ =	shalt  }
0x40: {  	_ =	shalt  }
0x41: {  	_ =	shalt  }
0x42: {  	_ =	shalt  }
0x43: {  	_ =	shalt  }
0x44: {  	_ =	shalt  }
0x45: {  	_ =	shalt  }
0x46: {  	_ =	shalt  }
0x47: {  	_ =	shalt  }
0x48: {  	_ =	shalt  }
0x49: {  	_ =	shalt  }
0x4a: {  	_ =	shalt  }
0x4b: {  	_ =	shalt  }
0x4c: {  	_ =	shalt  }
0x4d: {  	_ =	shalt  }
0x4e: {  	_ =	shalt  }
0x4f: {  	_ =	shalt  }
0x50: {  	_ =	shalt  }
0x51: {  	_ =	shalt  }
0x52: {  	_ =	shalt  }
0x53: {  	_ =	shalt  }
0x54: {  	_ =	shalt  }
0x55: {  	_ =	shalt  }
0x56: {  	_ =	shalt  }
0x57: {  	_ =	shalt  }
0x58: {  	_ =	shalt  }
0x59: {  	_ =	shalt  }
0x5a: {  	_ =	shalt  }
0x5b: {  	_ =	shalt  }
0x5c: {  	_ =	shalt  }
0x5d: {  	_ =	shalt  }
0x5e: {  	_ =	shalt  }
0x5f: {  	_ =	shalt  }
0x60: {  	_ =	shalt  }
0x61: {  	_ =	shalt  }
0x62: {  	_ =	shalt  }
0x63: {  	_ =	shalt  }
0x64: {  	_ =	shalt  }
0x65: {  	_ =	shalt  }
0x66: {  	_ =	shalt  }
0x67: {  	_ =	shalt  }
0x68: {  	_ =	shalt  }
0x69: {  	_ =	shalt  }
0x6a: {  	_ =	shalt  }
0x6b: {  	_ =	shalt  }
0x6c: {  	_ =	shalt  }
0x6d: {  	_ =	shalt  }
0x6e: {  	_ =	shalt  }
0x6f: {  	_ =	shalt  }
0x70: {  	_ =	shalt  }
0x71: {  	_ =	shalt  }
0x72: {  	_ =	shalt  }
0x73: {  	_ =	shalt  }
0x74: {  	_ =	shalt  }
0x75: {  	_ =	shalt  }
0x76: {  	_ =	shalt  }
0x77: {  	_ =	shalt  }
0x78: {  	_ =	shalt  }
0x79: {  	_ =	shalt  }
0x7a: {  	_ =	shalt  }
0x7b: {  	_ =	shalt  }
0x7c: {  	_ =	shalt  }
0x7d: {  	_ =	shalt  }
0x7e: {  	_ =	shalt  }
0x7f: {  	_ =	shalt  }
0x80: {  	_ =	shalt  }
0x81: {  	_ =	shalt  }
0x82: {  	_ =	shalt  }
0x83: {  	_ =	shalt  }
0x84: {  	_ =	shalt  }
0x85: {  	_ =	shalt  }
0x86: {  	_ =	shalt  }
0x87: {  	_ =	shalt  }
.Lfunc_end0:
.L_simem_size_0:
called_computation_lowered:
.L_overlay_start_0:
0x88: {  	s2 =	sld [smem:$0x3FD9]  }
0x89: {  	s3 =	sld [smem:$0x3FFE];
	_ =	sdelay $0x1  }
0x8a: {  	s1 =	srdreg.scid  }
0x8b: {  	s0 =	sand.u32 $0x1, s1  }
0x8c: {  	s17 =	sshll.u32 s0, $0xA;
	s2 =	sadd.s32 s3, s2  }
0x8d: {  	s2 =	sadd.s32 s2, s17  }
0x8e: {  	[smem:$0x3FC5] =	sst s2  }
0x8f: {  	_ = 	snop  }
0x90: {  	s18 =	sld [smem:$0x3FD0];
	(tm) =	ssettm $0x1  }
0x91: {  	s19 =	sld [smem:$0x3FFB];
	_ =	sdelay $0x3  }
0x92: {  	_ =	strace s19  }
0x93: {  	s2 =	sld [smem:$0x3FFC];
	_ =	sdelay $0x3  }
0x94: {  	_ =	strace s2  }
0x95: {  	s2 =	sld [smem:$0x3FFD];
	_ =	sdelay $0x3  }
0x96: {  	_ =	strace s2  }
0x97: {  	_ =	strace $0x8FFFFFFF  }
0x98: {  	s20 =	sld [smem:$0x3FDB];
	_ =	sdelay $0x1  }
0x99: {  	s4 =	simm.s32 $_scs_section_size  }
0x9a: {  	s5 =	simm.s32 $_size__tile_overlayer_lowered;
	s6 =	simm.s32 $_tile_overlayer_lowered  }
0x9b: {  	s7 =	simm.s32 $0x1BFF;
	s21 =	sshll.u32 s6, $0x1;
	s4 =	sadd.s32 s4, s20  }
0x9c: {  	s22 =	simm.s32 $0x0;
	s5 =	sshll.u32 s5, $0x1;
	s6 =	sadd.s32 s21, s4  }
0x9d: {  	[timem:s22], [sflag:s7] =	dma.local [hbm:s6], s5  }
0x9e: {  	_ =	swait.ge [sflag:s7], s5  }
0x9f: {  	s5 =	ssub.s32 $0x0, s5;
	[sflag:s7] =	ssyncset.done $0x0  }
0xa0: {  	[sflag:s7] =	ssyncadd.s32 s5;
	_ =	sdelay $0x1  }
0xa1: {  	s23 =	simm.s32 $0x1B8B  }
0xa2: {  	_ =	swait.ge [sflag:s23], $0x1  }
0xa3: {  	[sflag:s23] =	ssyncset.done $0x0  }
0xa4: {  	[sflag:s23] =	ssyncadd.s32 $0xFFFFFFFF  }
0xa5: {  	s5 =	sld [smem:$0x0]  }
0xa6: {  	s6 =	sand.u32 $0xFFFFFFFE, s1  }
0xa7: {  	p0 =	sne.s32 s1, s6  }
0xa8: {  	s6 =	sshll.u32 @p0 s6, $0xE  }
0xa9: {  	s6 =	sadd.s32 @p0 $0x11B8D, s6;
	s7 =	sshll.u32 @p0 s5, $0x11  }
0xaa: {  	s6 =	sor.u32 @p0 s7, s6  }
0xab: {  	[sflag:s6] =	ssyncadd.remote.s32 @p0 $0x1;
	_ =	sdelay $0x1  }
0xac: {  	s6 =	simm.s32 @p0 $0x1B8D  }
0xad: {  	_ =	swait.eq @p0 [sflag:s6], $0x1  }
0xae: {  	[sflag:s6] =	ssyncadd.s32 @p0 $0xFFFFFFFF  }
0xaf: {  	s7 =	sshll.u32 @!p0 s1, $0xE  }
0xb0: {  	s7 =	sor.u32 @!p0 $0x4000, s7;
	s6 =	simm.s32 @!p0 $0x1B8D  }
0xb1: {  	s5 =	sshll.u32 @!p0 s5, $0x11;
	s7 =	sadd.s32 @!p0 $0x11B8D, s7;
	_ =	swait.eq @!p0 [sflag:s6], $0x1  }
0xb2: {  	s5 =	sor.u32 @!p0 s5, s7;
	[sflag:s6] =	ssyncadd.s32 @!p0 $0xFFFFFFFF  }
0xb3: {  	s25 =	simm.s32 $0x1B8E;
	s24 =	sld [smem:$0x3FFE];
	[sflag:s5] =	ssyncadd.remote.s32 @!p0 $0x1  }
0xb4: {  	s26 =	simm.s32 $execute0_lowered;
	[smem:$0x3FD2] =	sst s25  }
0xb5: {  	s6 =	sshll.u32 s26, $0x1;
	_ =	strace $0x80000049;
	[dreg:$0x1] =	wrdreg $0xFFFFFFFF  }
0xb6: {  	s28 =	simm.s32 $_size_execute0_lowered;
	s4 =	sadd.s32 s4, s6;
	[dreg:$0x0] =	wrdreg $0x0  }
0xb7: {  	s6 =	sshll.u32 s28, $0x1;
	[dreg:$0x2] =	wrdreg s4  }
0xb8: {  	[dreg:$0x3] =	wrdreg s6  }
0xb9: {  	[dreg:$0x4] =	wrdreg $0xC0  }
0xba: {  	_ =	task [dreg:s22], $0x5FFFF  }
0xbb: {  	[dreg:$0x1] =	wrdreg $0xFFFFFFFF  }
0xbc: {  	[dreg:$0x0] =	wrdreg $0x60  }
0xbd: {  	[dreg:$0x2] =	wrdreg s24  }
0xbe: {  	[dreg:$0x3] =	wrdreg s18  }
0xbf: {  	[dreg:$0x4] =	wrdreg $0x9  }
0xc0: {  	_ =	task.clear_ibuf [dreg:s22], $0x5FFFF;
	_ =	strace $0x90000049  }
0xc1: {  	s29 =	simm.s32 $0x9;
	_ =	strace $0x8000004B  }
0xc2: {  	_ =	swait.ge [sflag:s29], $0x1  }
0xc3: {  	[sflag:s29] =	ssyncadd.s32 $0xFFFFFFFF  }
0xc4: {  	_ =	strace $0x9000004B  }
0xc5: {  	_ =	sfence  }
0xc6: {  	s30 =	sld [smem:$0x0];
	_ =	sdelay $0x2  }
0xc7: {  	s31 =	sshll.u32 s1, $0xD;
	s1 =	sshrl.u32 s1, $0x2  }
0xc8: {  	s4 =	sand.u32 $0x4000, s31;
	s1 =	sadd.s32 s1, s30  }
0xc9: {  	s0 =	sor.u32 s4, s0;
	s1 =	sshll.u32 s1, $0x11  }
0xca: {  	s0 =	sor.u32 s1, s0  }
0xcb: {  	s0 =	sadd.s32 $0x8F2B, s0  }
0xcc: {  	[sflag:s0] =	ssyncadd.remote.s32 $0x1  }
0xcd: {  	_ =	sfence.sel $0xFFFF  }
0xce: {  	[dreg:$0x0] =	wrdreg $0xFFFFFFFF;
	(pc) =	sbr.abs _section_cstart, $3  }
0xcf: {  	[dreg:$0x1] =	wrdreg $0xFFFFFFFF  }
0xd0: {  	_ =	task.clear_ibuf [dreg:s22], $0x2FFFF;
	_ =	strace $0x9FFFFFFF  }
0xd1: {  	(tm) =	ssettm $0x7FFFFFFF  }
tec
execute0_lowered:
.L_overlay_start_1:
0x0: {  	(tag) =	ssettag $0x1  }
0x1: {  	s4 =	rddreg [dreg:$0x0]  }
0x2: {  	s5 =	rddreg [dreg:$0x1];
	s2 =	srdreg.scid  }
0x3: {  	s0 =	rddreg [dreg:$0x2];
	s1 =	stileid.u32  }
0x4: {  	s10 =	simm.s32 $0x4000;
	s11 =	simm.s32 $0x0;
	s3 =	sand.u32 $0x1, s2  }
0x5: {  	s2 =	simm.s32 $0x0;
	s6 =	sshll.u32 s1, $0x8;
	s7 =	sshll.u32 s3, $0x7  }
0x6: {  	[smem:$0x7FF] =	sst s2;
	s30 =	ssub.s32 $0x2, s3;
	s3 =	sadd.s32 $0x400800, s4  }
0x7: {  	s9 =	sor.u32 s7, s6;
	_ =	strace $0x8000004A;
	s31 =	sshrl.u32 s30, $0x1  }
0x8: {  	s6 =	sshll.u32 s9, $0x4;
	s7 =	ssub.s32 s30, s31;
	v0 =	vmov s9;
	s9 =	simm.s32 $0x1  }
0x9: {  	s8 =	sadd.s32 s6, s4;
	s4 =	sadd.s32 s5, s6;
	s6 =	smax.u32 s7, $0x1  }
0xa: {  	s7 =	simm.s32 $0x2;
	s5 =	sadd.s32 $0x7F0800, s8;
	s8 =	simm.s32 $0x80  }
.LBB2_1:
0xb: {  	[tilespmem:s2], [sflag:$0x2] =	stream.linear.gather [hbm4b:s4+s2], $0x4000, $0x38;
	[tilespmem:$0x8000] =	vst v63  }
0xc: {  	_ =	swait.ge [sflag:s7], $0x4000  }
0xd: {  	[sflag:s7] =	ssyncset.done $0x0  }
0xe: {  	s12 =	simm.s32 $0x0;
	[sflag:s7] =	ssyncadd.s32 $0xFFFFC000  }
0xf: {  	v1 =	vld [tilespmem:s12+$0x0]  }
0x10: {  	v2 =	vld [tilespmem:s12+$0x10];
	_ =	sdelay $0x2  }
0x11: {  	v6 =	vld [tilespmem:s12+$0x20]  }
0x12: {  	v8 =	vld [tilespmem:s12+$0x30];
	v3 =	vshll.u32 v1, $0x5  }
0x13: {  	v1 =	vand.u32 $0x7F, v1;
	v4 =	vshll.u32 v2, $0x5;
	v3 =	vand.u32 $0xFFFFF000, v3  }
0x14: {  	v2 =	vand.u32 $0x7F, v2;
	v5 =	vand.u32 $0xFFFFF000, v4;
	v1 =	vor.u32 v3, v1;
	v3 =	vld [tilespmem:s12+$0x40]  }
0x15: {  	v5 =	vor.u32 v5, v2;
	v2 =	vld [tilespmem:s12+$0x50]  }
0x16: {  	v4 =	vor.u32 v0, v1;
	v1 =	vshll.u32 v6, $0x5  }
0x17: {  	v7 =	vshll.u32 v8, $0x5;
	v6 =	vand.u32 $0x7F, v6;
	v1 =	vand.u32 $0xFFFFF000, v1  }
0x18: {  	s13 =	simm.s32 $0x200;
	v8 =	vand.u32 $0x7F, v8;
	v7 =	vand.u32 $0xFFFFF000, v7;
	v6 =	vor.u32 v1, v6;
	v1 =	vld [tilespmem:s12+$0x60]  }
.LBB2_2:
0x19: {  	p0 =	sne.s32 s13, $0xFE00;
	v5 =	vor.u32 v0, v5;
	v6 =	vor.u32 v0, v6;
	v7 =	vor.u32 v7, v8;
	v8 =	vld [tilespmem:s12+$0x70]  }
0x1a: {  	v9 =	vshll.u32 v3, $0x5;
	v3 =	vand.u32 $0x7F, v3;
	v10 =	vshll.u32 v2, $0x5  }
0x1b: {  	v2 =	vand.u32 $0x7F, v2;
	[tilespmem:s12+$0x0] =	vst v4;
	v4 =	vand.u32 $0xFFFFF000, v9;
	v9 =	vand.u32 $0xFFFFF000, v10  }
0x1c: {  	[tilespmem:s12+$0x10] =	vst v5;
	v5 =	vor.u32 v0, v7;
	v3 =	vor.u32 v4, v3;
	v2 =	vor.u32 v9, v2  }
0x1d: {  	[tilespmem:s12+$0x20] =	vst v6;
	v3 =	vor.u32 v0, v3;
	v2 =	vor.u32 v0, v2;
	v4 =	vshll.u32 v1, $0x5  }
0x1e: {  	v1 =	vand.u32 $0x7F, v1;
	[tilespmem:s12+$0x30] =	vst v5;
	v4 =	vand.u32 $0xFFFFF000, v4;
	v5 =	vshll.u32 v8, $0x5  }
0x1f: {  	[tilespmem:s12+$0x40] =	vst v3;
	v1 =	vor.u32 v4, v1;
	v3 =	vand.u32 $0xFFFFF000, v5;
	v4 =	vand.u32 $0x7F, v8  }
0x20: {  	[tilespmem:s12+$0x50] =	vst v2;
	v1 =	vor.u32 v0, v1;
	v2 =	vor.u32 v3, v4  }
0x21: {  	s14 =	sshra.s32 s13, $0x2;
	s15 =	sadd.s32 $0x4000, s12;
	[tilespmem:s12+$0x60] =	vst v1;
	v1 =	vor.u32 v0, v2  }
0x22: {  	[tilespmem:s12+$0x70] =	vst v1;
	[tilespmem:s15], [sflag:$0x1] =	stream.indirect.gather [hbm4b:s3+s8], $0x1, s12, s8, $0xb8  }
0x23: {  	s12 =	smov.u32 s14;
	v1 =	vld [tilespmem:s14+$0x0]  }
0x24: {  	v2 =	vld [tilespmem:s12+$0x10];
	_ =	sdelay $0x1  }
0x25: {  	v6 =	vld [tilespmem:s12+$0x20]  }
0x26: {  	v8 =	vld [tilespmem:s12+$0x30]  }
0x27: {  	v3 =	vshll.u32 v1, $0x5  }
.Ltmp0:
0x28: {  	v1 =	vand.u32 $0x7F, v1;
	v4 =	vand.u32 $0xFFFFF000, v3;
	v5 =	vshll.u32 v2, $0x5;
	v3 =	vld [tilespmem:s12+$0x40];
	(pc) =	sbr.rel @p0 .LBB2_2-.Ltmp0, $4  }
0x29: {  	v7 =	vand.u32 $0x7F, v2;
	v1 =	vor.u32 v4, v1;
	v5 =	vand.u32 $0xFFFFF000, v5;
	v2 =	vld [tilespmem:s12+$0x50]  }
0x2a: {  	v4 =	vor.u32 v0, v1;
	v5 =	vor.u32 v5, v7;
	v1 =	vshll.u32 v6, $0x5  }
0x2b: {  	v6 =	vand.u32 $0x7F, v6;
	v1 =	vand.u32 $0xFFFFF000, v1;
	v7 =	vshll.u32 v8, $0x5  }
0x2c: {  	s13 =	sadd.s32 $0x200, s13;
	v8 =	vand.u32 $0x7F, v8;
	v6 =	vor.u32 v1, v6;
	v7 =	vand.u32 $0xFFFFF000, v7;
	v1 =	vld [tilespmem:s12+$0x60]  }
0x2d: {  	v5 =	vor.u32 v0, v5;
	v6 =	vor.u32 v0, v6;
	v7 =	vor.u32 v7, v8;
	v57 =	vld [tilespmem:s12+$0x70]  }
0x2e: {  	v9 =	vshll.u32 v3, $0x5;
	v3 =	vand.u32 $0x7F, v3;
	v10 =	vshll.u32 v2, $0x5  }
0x2f: {  	[tilespmem:s12+$0x0] =	vst v4;
	v58 =	vand.u32 $0xFFFFF000, v9;
	v2 =	vand.u32 $0x7F, v2;
	v59 =	vand.u32 $0xFFFFF000, v10  }
0x30: {  	[tilespmem:s12+$0x10] =	vst v5;
	v60 =	vor.u32 v0, v7;
	v3 =	vor.u32 v58, v3;
	v2 =	vor.u32 v59, v2  }
0x31: {  	[tilespmem:s12+$0x20] =	vst v6;
	v3 =	vor.u32 v0, v3;
	v2 =	vor.u32 v0, v2;
	v61 =	vshll.u32 v1, $0x5  }
0x32: {  	[tilespmem:s12+$0x30] =	vst v60;
	v1 =	vand.u32 $0x7F, v1;
	v4 =	vand.u32 $0xFFFFF000, v61;
	v62 =	vshll.u32 v57, $0x5  }
0x33: {  	[tilespmem:s12+$0x40] =	vst v3;
	v63 =	vand.u32 $0x7F, v57;
	v1 =	vor.u32 v4, v1;
	v3 =	vand.u32 $0xFFFFF000, v62  }
0x34: {  	[tilespmem:s12+$0x50] =	vst v2;
	v1 =	vor.u32 v0, v1;
	v2 =	vor.u32 v3, v63  }
0x35: {  	[tilespmem:s12+$0x60] =	vst v1;
	v1 =	vor.u32 v0, v2  }
0x36: {  	s13 =	sadd.s32 $0x4000, s12;
	[tilespmem:s12+$0x70] =	vst v1  }
0x37: {  	[tilespmem:s13], [sflag:$0x1] =	stream.indirect.gather [hbm4b:s3+s8], $0x1, s12, s8, $0xb8;
	[tilespmem:$0x8000] =	vst v63  }
0x38: {  	s11 =	sadd.s32 $0x1, s11;
	_ =	swait.ge [sflag:s9], $0x4000  }
0x39: {  	p0 =	sne.s32 s11, s6;
	[sflag:s9] =	ssyncset.done $0x0  }
.Ltmp1:
0x3a: {  	[sflag:s9] =	ssyncadd.s32 $0xFFFFC000;
	(pc) =	sbr.rel @p0 .LBB2_1-.Ltmp1, $4  }
0x3b: {  	[hbm4b:s5+s2] =	stream.linear.scatter [tilespmem:s10], [sflag:$0x2], $0x4000, $0x38;
	[tilespmem:$0x8000] =	vst v63  }
0x3c: {  	_ =	swait.ge [sflag:s7], $0x4000  }
0x3d: {  	[sflag:s7] =	ssyncset.done $0x0  }
0x3e: {  	[sflag:s7] =	ssyncadd.s32 $0xFFFFC000  }
0x3f: {  	_ =	sfence.sel $0x180000  }
0x40: {  	[bflag:$0x0] =	sbarrier.arrive $0xFFFF  }
0x41: {  	p0 =	sne.s32 s1, $0x0;
	_ =	strace $0x9000004A  }
0x42: {  	s0 =	sadd.s32 @!p0 $0x100000, s0;
	[bflag:$0x2] =	sbarrier.arrive $0xFFFF  }
0x43: {  	[sflag:s0] =	ssyncadd.tile.s32 @!p0 $0x1;
	_ =	shalt  }
.Lfunc_end2:
_tile_overlayer_lowered:
.L_overlay_start_2:
0x44: {  	(tag) =	ssettag $0x2  }
0x45: {  	s0 =	rddreg [dreg:$0x0];
	s2 =	stileid.u32  }
0x46: {  	s1 =	rddreg [dreg:$0x1];
	p0 =	sne.s32 s2, $0x0  }
0x47: {  	s3 =	rddreg [dreg:$0x2];
	[bflag:$0x3] =	sbarrier.arrive $0xFFFF;
	s2 =	simm.s32 @!p0 $0x1C02  }
0x48: {  	[timem:s3], [sflag:s2] =	dma.local @!p0 [hbm:s0], s1  }
0x49: {  	s0 =	simm.s32 @!p0 $0x2  }
0x4a: {  	_ =	swait.ge @!p0 [sflag:s0], s1  }
0x4b: {  	s1 =	ssub.s32 @!p0 $0x0, s1;
	[sflag:s0] =	ssyncset.done @!p0 $0x0  }
0x4c: {  	[sflag:s0] =	ssyncadd.s32 @!p0 s1  }
0x4d: {  	[bflag:$0x3] =	sbarrier.arrive $0xFFFF  }
0x4e: {  	_ =	shalt  }

// kernel: kernel.9.cloned.1.call-start
scs
__scs_entry_jumppad:
0x0: {  	(pc) =	sbr.rel $0x88, $3  }
0x1: {  	(tag) =	ssettag $0x0;
	lr =	simm.s32 $0x1  }
0x2: {  	[smem:$0x3F9E] =	sst lr;
	_ =	strace $0xD0000000  }
0x3: {  	_ = 	snop  }
0x4: {  	_ = 	snop  }
0x5: {  	_ = 	snop  }
0x6: {  	_ = 	snop  }
0x7: {  	_ = 	snop  }
__scs_overlays_trampoline_lowered:
0x8: {  	[smem:$0x3FAD] =	sst s0  }
0x9: {  	[smem:$0x3FAE] =	sst s1  }
0xa: {  	[smem:$0x3FAF] =	sst s2  }
0xb: {  	[smem:$0x3FB0] =	sst s3  }
0xc: {  	[smem:$0x3FB1] =	sst s4  }
0xd: {  	[smem:$0x3FB2] =	sst s5  }
0xe: {  	[smem:$0x3FB3] =	sst s6  }
0xf: {  	[smem:$0x3FB4] =	sst s7  }
0x10: {  	[smem:$0x3FB5] =	sst s8  }
0x11: {  	[smem:$0x3FB6] =	sst s9;
	s0 =	simm.s32 @!p0 $0x0  }
0x12: {  	s1 =	sld [smem:$0x3F9C];
	s0 =	simm.s32 @p0 $0x1  }
0x13: {  	[smem:$0x3FB7] =	sst s0;
	s0 =	simm.s32 @!p1 $0x0  }
0x14: {  	s2 =	sld [smem:$0x3F9B];
	s0 =	simm.s32 @p1 $0x1  }
0x15: {  	[smem:$0x3FB8] =	sst s0;
	s0 =	simm.s32 @!p2 $0x0  }
0x16: {  	s3 =	sld [smem:$0x3FDB];
	s0 =	simm.s32 @p2 $0x1  }
0x17: {  	s4 =	simm.s32 $0x1BF5;
	[smem:$0x3FBA] =	sst s0  }
0x18: {  	s0 =	sld [smem:$0x3F9D];
	_ =	swait.ge [sflag:s4], $0x0  }
0x19: {  	s7 =	sld [smem:$0x3F9E]  }
0x1a: {  	s8 =	sadd.s32 $0xFFFFE003, lr  }
0x1b: {  	s9 =	sadd.s32 $0xFFFFFEF7, lr;
	s5 =	simm.s32 $0xFFFFFFFF;
	p2 =	slt.u32 s8, $0xFFFFF086  }
0x1c: {  	p1 =	slt.u32 s9, $0xF7A;
	s5 =	simm.s32 @!p2 $0x0  }
0x1d: {  	s5 =	simm.s32 @p1 $0x1;
	p0 =	seq.s32 s7, s2  }
0x1e: {  	s7 =	smul.u32 @!p0 $0xF7A, s2;
	p2 =	seq.s32 @!p0 s5, $0x0  }
0x1f: {  	s9 =	smul.u32 $0xF7A, s1;
	s8 =	simm.s32 @!p0 $0x1BF5;
	p2 =	por !p2, p0  }
0x20: {  	[sflag:s8] =	ssyncset.s32 @!p0 $0xFFFFF086;
	s6 =	sadd.s32 @!p0 s3, s7;
	s7 =	simm.s32 @!p0 $0x108  }
0x21: {  	s3 =	sadd.s32 s3, s9;
	s6 =	sadd.s32 @!p0 $0x88, s6;
	s7 =	simm.s32 @p2 $0x1082  }
0x22: {  	[simem:s7], [sflag:s8] =	dma.local @!p0 [hbm:s6], $0xF7A  }
0x23: {  	s9 =	sor.u32 $0xD0000000, s2;
	s6 =	simm.s32 $0x108;
	_ =	swait.ge @!p0 [sflag:s8], $0x0  }
0x24: {  	s3 =	sadd.s32 $0x88, s3;
	s6 =	simm.s32 @!p1 $0x1082;
	[sflag:s4] =	ssyncset.s32 $0xFFFFF086  }
0x25: {  	[simem:s6], [sflag:s4] =	dma.local [hbm:s3], $0xF7A  }
0x26: {  	[smem:$0x3F9E] =	sst s1;
	(tag) =	ssettag s2;
	_ =	strace s9  }
0x27: {  	s1 =	sld [smem:$0x3FAE]  }
0x28: {  	s2 =	sld [smem:$0x3FAF]  }
0x29: {  	s4 =	sld [smem:$0x3FB1]  }
0x2a: {  	p0 =	seq.s32 s5, $0x0;
	s5 =	sld [smem:$0x3FB2]  }
0x2b: {  	s6 =	sld [smem:$0x3FB3]  }
0x2c: {  	s7 =	sld [smem:$0x3FB4]  }
0x2d: {  	s3 =	simm.s32 $0x108;
	s8 =	sld [smem:$0x3FB5]  }
0x2e: {  	s3 =	simm.s32 @!p0 $0x1082;
	s9 =	sld [smem:$0x3FB6]  }
0x2f: {  	lr =	sadd.s32 s0, s3;
	s0 =	sld [smem:$0x3FAD]  }
0x30: {  	s3 =	sld [smem:$0x3FB0]  }
0x31: {  	[smem:$0x3FB9] =	sst s10  }
0x32: {  	s10 =	sld [smem:$0x3FB7];
	_ =	sdelay $0x3  }
0x33: {  	p0 =	seq.s32 s10, $0x1;
	s10 =	sld [smem:$0x3FB9];
	_ =	sdelay $0x3  }
0x34: {  	[smem:$0x3FB9] =	sst s10  }
0x35: {  	s10 =	sld [smem:$0x3FB8];
	_ =	sdelay $0x3  }
0x36: {  	p1 =	seq.s32 s10, $0x1;
	s10 =	sld [smem:$0x3FB9];
	_ =	sdelay $0x3  }
0x37: {  	[smem:$0x3FB9] =	sst s10  }
0x38: {  	s10 =	sld [smem:$0x3FBA]  }
0x39: {  	_ = 	snop;
	(pc) =	sbr.ind lr, $3  }
0x3a: {  	_ = 	snop  }
0x3b: {  	_ = 	snop  }
0x3c: {  	p2 =	seq.s32 s10, $0x1;
	s10 =	sld [smem:$0x3FB9]  }
0x3d: {  	_ =	shalt  }
0x3e: {  	_ =	shalt  }
0x3f: {  	_ =	shalt  }
0x40: {  	_ =	shalt  }
0x41: {  	_ =	shalt  }
0x42: {  	_ =	shalt  }
0x43: {  	_ =	shalt  }
0x44: {  	_ =	shalt  }
0x45: {  	_ =	shalt  }
0x46: {  	_ =	shalt  }
0x47: {  	_ =	shalt  }
0x48: {  	_ =	shalt  }
0x49: {  	_ =	shalt  }
0x4a: {  	_ =	shalt  }
0x4b: {  	_ =	shalt  }
0x4c: {  	_ =	shalt  }
0x4d: {  	_ =	shalt  }
0x4e: {  	_ =	shalt  }
0x4f: {  	_ =	shalt  }
0x50: {  	_ =	shalt  }
0x51: {  	_ =	shalt  }
0x52: {  	_ =	shalt  }
0x53: {  	_ =	shalt  }
0x54: {  	_ =	shalt  }
0x55: {  	_ =	shalt  }
0x56: {  	_ =	shalt  }
0x57: {  	_ =	shalt  }
0x58: {  	_ =	shalt  }
0x59: {  	_ =	shalt  }
0x5a: {  	_ =	shalt  }
0x5b: {  	_ =	shalt  }
0x5c: {  	_ =	shalt  }
0x5d: {  	_ =	shalt  }
0x5e: {  	_ =	shalt  }
0x5f: {  	_ =	shalt  }
0x60: {  	_ =	shalt  }
0x61: {  	_ =	shalt  }
0x62: {  	_ =	shalt  }
0x63: {  	_ =	shalt  }
0x64: {  	_ =	shalt  }
0x65: {  	_ =	shalt  }
0x66: {  	_ =	shalt  }
0x67: {  	_ =	shalt  }
0x68: {  	_ =	shalt  }
0x69: {  	_ =	shalt  }
0x6a: {  	_ =	shalt  }
0x6b: {  	_ =	shalt  }
0x6c: {  	_ =	shalt  }
0x6d: {  	_ =	shalt  }
0x6e: {  	_ =	shalt  }
0x6f: {  	_ =	shalt  }
0x70: {  	_ =	shalt  }
0x71: {  	_ =	shalt  }
0x72: {  	_ =	shalt  }
0x73: {  	_ =	shalt  }
0x74: {  	_ =	shalt  }
0x75: {  	_ =	shalt  }
0x76: {  	_ =	shalt  }
0x77: {  	_ =	shalt  }
0x78: {  	_ =	shalt  }
0x79: {  	_ =	shalt  }
0x7a: {  	_ =	shalt  }
0x7b: {  	_ =	shalt  }
0x7c: {  	_ =	shalt  }
0x7d: {  	_ =	shalt  }
0x7e: {  	_ =	shalt  }
0x7f: {  	_ =	shalt  }
0x80: {  	_ =	shalt  }
0x81: {  	_ =	shalt  }
0x82: {  	_ =	shalt  }
0x83: {  	_ =	shalt  }
0x84: {  	_ =	shalt  }
0x85: {  	_ =	shalt  }
0x86: {  	_ =	shalt  }
0x87: {  	_ =	shalt  }
.Lfunc_end0:
.L_simem_size_0:
called_computation.1_lowered:
.L_overlay_start_0:
0x88: {  	s2 =	sld [smem:$0x3FD9]  }
0x89: {  	s3 =	sld [smem:$0x3FFE];
	_ =	sdelay $0x1  }
0x8a: {  	s1 =	srdreg.scid  }
0x8b: {  	s0 =	sand.u32 $0x1, s1  }
0x8c: {  	s17 =	sshll.u32 s0, $0xA;
	s2 =	sadd.s32 s3, s2  }
0x8d: {  	s2 =	sadd.s32 s2, s17  }
0x8e: {  	[smem:$0x3FC5] =	sst s2  }
0x8f: {  	_ = 	snop  }
0x90: {  	s2 =	sld [smem:$0x3FD0];
	(tm) =	ssettm $0x1  }
0x91: {  	s18 =	sld [smem:$0x3FFB];
	_ =	sdelay $0x3  }
0x92: {  	_ =	strace s18  }
0x93: {  	s3 =	sld [smem:$0x3FFC];
	_ =	sdelay $0x3  }
0x94: {  	_ =	strace s3  }
0x95: {  	s3 =	sld [smem:$0x3FFD];
	_ =	sdelay $0x3  }
0x96: {  	_ =	strace s3  }
0x97: {  	_ =	strace $0x8FFFFFFF  }
0x98: {  	s19 =	sld [smem:$0x3FDB];
	_ =	sdelay $0x1  }
0x99: {  	s4 =	simm.s32 $_scs_section_size  }
0x9a: {  	s5 =	simm.s32 $_size__tile_overlayer_lowered;
	s6 =	simm.s32 $_tile_overlayer_lowered  }
0x9b: {  	s22 =	simm.s32 $0x1BFF;
	s21 =	sshll.u32 s6, $0x1;
	s3 =	sadd.s32 s4, s19  }
0x9c: {  	s7 =	simm.s32 $0x0;
	s20 =	sshll.u32 s5, $0x1;
	s5 =	sadd.s32 s21, s3  }
0x9d: {  	[timem:s7], [sflag:s22] =	dma.local [hbm:s5], s20  }
0x9e: {  	_ =	swait.ge [sflag:s22], s20  }
0x9f: {  	s4 =	ssub.s32 $0x0, s20;
	[sflag:s22] =	ssyncset.done $0x0  }
0xa0: {  	[sflag:s22] =	ssyncadd.s32 s4;
	_ =	sdelay $0x1  }
0xa1: {  	s23 =	simm.s32 $0x1B8B  }
0xa2: {  	_ =	swait.ge [sflag:s23], $0x1  }
0xa3: {  	[sflag:s23] =	ssyncset.done $0x0  }
0xa4: {  	s25 =	simm.s32 $0x1B8E;
	s24 =	sld [smem:$0x3FFE];
	[sflag:s23] =	ssyncadd.s32 $0xFFFFFFFF  }
0xa5: {  	s26 =	simm.s32 $execute0_lowered;
	[smem:$0x3FD2] =	sst s25  }
0xa6: {  	s5 =	sshll.u32 s26, $0x1;
	_ =	strace $0x80000046;
	[dreg:$0x1] =	wrdreg $0xFFFFFFFF  }
0xa7: {  	s28 =	simm.s32 $_size_execute0_lowered;
	s3 =	sadd.s32 s3, s5;
	[dreg:$0x0] =	wrdreg $0x0  }
0xa8: {  	s5 =	sshll.u32 s28, $0x1;
	[dreg:$0x2] =	wrdreg s3  }
0xa9: {  	[dreg:$0x3] =	wrdreg s5  }
0xaa: {  	[dreg:$0x4] =	wrdreg $0xC0  }
0xab: {  	_ =	task [dreg:s7], $0x5FFFF  }
0xac: {  	[dreg:$0x1] =	wrdreg $0xFFFFFFFF  }
0xad: {  	[dreg:$0x0] =	wrdreg $0x60  }
0xae: {  	[dreg:$0x2] =	wrdreg s24  }
0xaf: {  	[dreg:$0x3] =	wrdreg s2  }
0xb0: {  	[dreg:$0x4] =	wrdreg $0xA  }
0xb1: {  	_ =	task.clear_ibuf [dreg:s7], $0x5FFFF;
	_ =	strace $0x90000046  }
0xb2: {  	s29 =	simm.s32 $0xA;
	_ =	strace $0x80000048  }
0xb3: {  	_ =	swait.ge [sflag:s29], $0x1  }
0xb4: {  	[sflag:s29] =	ssyncadd.s32 $0xFFFFFFFF  }
0xb5: {  	_ =	strace $0x90000048  }
0xb6: {  	_ =	sfence  }
0xb7: {  	s30 =	sld [smem:$0x0];
	_ =	sdelay $0x2  }
0xb8: {  	s31 =	sshll.u32 s1, $0xD;
	s1 =	sshrl.u32 s1, $0x2  }
0xb9: {  	s3 =	sand.u32 $0x4000, s31;
	s1 =	sadd.s32 s1, s30  }
0xba: {  	s0 =	sor.u32 s3, s0;
	s1 =	sshll.u32 s1, $0x11  }
0xbb: {  	s0 =	sor.u32 s1, s0  }
0xbc: {  	s0 =	sadd.s32 $0x8F2B, s0  }
0xbd: {  	[sflag:s0] =	ssyncadd.remote.s32 $0x1  }
0xbe: {  	_ =	sfence.sel $0xFFFF  }
0xbf: {  	[dreg:$0x0] =	wrdreg $0xFFFFFFFF;
	(pc) =	sbr.abs _section_cstart, $3  }
0xc0: {  	[dreg:$0x1] =	wrdreg $0xFFFFFFFF  }
0xc1: {  	_ =	task.clear_ibuf [dreg:s7], $0x2FFFF;
	_ =	strace $0x9FFFFFFF  }
0xc2: {  	(tm) =	ssettm $0x7FFFFFFF  }
0xc3: {  	_ =	shalt  }
tec
execute0_lowered:
.L_overlay_start_1:
0x0: {  	(tag) =	ssettag $0x1  }
0x1: {  	s4 =	rddreg [dreg:$0x0]  }
0x2: {  	s5 =	rddreg [dreg:$0x1]  }
0x3: {  	s0 =	rddreg [dreg:$0x2]  }
0x4: {  	s3 =	srdreg.scid;
	s2 =	simm.s32 $0x0;
	s1 =	stileid.u32  }
0x5: {  	s10 =	simm.s32 $0x4000;
	s11 =	simm.s32 $0x0;
	s6 =	sand.u32 $0x1, s3  }
0x6: {  	[smem:$0x7FF] =	sst s2;
	s30 =	sshll.u32 s1, $0x8;
	s7 =	sshll.u32 s6, $0x7  }
0x7: {  	s3 =	sadd.s32 $0x800, s4;
	s6 =	ssub.s32 $0x2, s6;
	s9 =	sor.u32 s7, s30  }
0x8: {  	_ =	strace $0x80000047;
	s31 =	sshrl.u32 s6, $0x1;
	s7 =	sshll.u32 s9, $0x4  }
0x9: {  	s6 =	ssub.s32 s6, s31;
	v0 =	vmov s9;
	s9 =	simm.s32 $0x1;
	s8 =	sadd.s32 s7, s4  }
0xa: {  	s5 =	sadd.s32 s7, s5;
	s6 =	smax.u32 s6, $0x1;
	s7 =	simm.s32 $0x2  }
0xb: {  	s4 =	sadd.s32 $0x10000, s5;
	s5 =	sadd.s32 $0x3F0800, s8;
	s8 =	simm.s32 $0x80  }
.LBB2_1:
0xc: {  	[tilespmem:s2], [sflag:$0x2] =	stream.linear.gather [hbm4b:s4+s2], $0x4000, $0x38;
	[tilespmem:$0x8000] =	vst v63  }
0xd: {  	_ =	swait.ge [sflag:s7], $0x4000  }
0xe: {  	[sflag:s7] =	ssyncset.done $0x0  }
0xf: {  	s12 =	simm.s32 $0x0;
	[sflag:s7] =	ssyncadd.s32 $0xFFFFC000  }
0x10: {  	v1 =	vld [tilespmem:s12+$0x0]  }
0x11: {  	v2 =	vld [tilespmem:s12+$0x10];
	_ =	sdelay $0x2  }
0x12: {  	v6 =	vld [tilespmem:s12+$0x20]  }
0x13: {  	v8 =	vld [tilespmem:s12+$0x30];
	v3 =	vshll.u32 v1, $0x5  }
0x14: {  	v1 =	vand.u32 $0x7F, v1;
	v4 =	vshll.u32 v2, $0x5;
	v3 =	vand.u32 $0xFFFFF000, v3  }
0x15: {  	v2 =	vand.u32 $0x7F, v2;
	v5 =	vand.u32 $0xFFFFF000, v4;
	v1 =	vor.u32 v3, v1;
	v3 =	vld [tilespmem:s12+$0x40]  }
0x16: {  	v5 =	vor.u32 v5, v2;
	v2 =	vld [tilespmem:s12+$0x50]  }
0x17: {  	v4 =	vor.u32 v0, v1;
	v1 =	vshll.u32 v6, $0x5  }
0x18: {  	v7 =	vshll.u32 v8, $0x5;
	v6 =	vand.u32 $0x7F, v6;
	v1 =	vand.u32 $0xFFFFF000, v1  }
0x19: {  	s13 =	simm.s32 $0x200;
	v8 =	vand.u32 $0x7F, v8;
	v7 =	vand.u32 $0xFFFFF000, v7;
	v6 =	vor.u32 v1, v6;
	v1 =	vld [tilespmem:s12+$0x60]  }
.LBB2_2:
0x1a: {  	p0 =	sne.s32 s13, $0xFE00;
	v5 =	vor.u32 v0, v5;
	v6 =	vor.u32 v0, v6;
	v7 =	vor.u32 v7, v8;
	v8 =	vld [tilespmem:s12+$0x70]  }
0x1b: {  	v9 =	vshll.u32 v3, $0x5;
	v3 =	vand.u32 $0x7F, v3;
	v10 =	vshll.u32 v2, $0x5  }
0x1c: {  	v2 =	vand.u32 $0x7F, v2;
	[tilespmem:s12+$0x0] =	vst v4;
	v4 =	vand.u32 $0xFFFFF000, v9;
	v9 =	vand.u32 $0xFFFFF000, v10  }
0x1d: {  	[tilespmem:s12+$0x10] =	vst v5;
	v5 =	vor.u32 v0, v7;
	v3 =	vor.u32 v4, v3;
	v2 =	vor.u32 v9, v2  }
0x1e: {  	[tilespmem:s12+$0x20] =	vst v6;
	v3 =	vor.u32 v0, v3;
	v2 =	vor.u32 v0, v2;
	v4 =	vshll.u32 v1, $0x5  }
0x1f: {  	v1 =	vand.u32 $0x7F, v1;
	[tilespmem:s12+$0x30] =	vst v5;
	v4 =	vand.u32 $0xFFFFF000, v4;
	v5 =	vshll.u32 v8, $0x5  }
0x20: {  	[tilespmem:s12+$0x40] =	vst v3;
	v1 =	vor.u32 v4, v1;
	v3 =	vand.u32 $0xFFFFF000, v5;
	v4 =	vand.u32 $0x7F, v8  }
0x21: {  	[tilespmem:s12+$0x50] =	vst v2;
	v1 =	vor.u32 v0, v1;
	v2 =	vor.u32 v3, v4  }
0x22: {  	s14 =	sshra.s32 s13, $0x2;
	s15 =	sadd.s32 $0x4000, s12;
	[tilespmem:s12+$0x60] =	vst v1;
	v1 =	vor.u32 v0, v2  }
0x23: {  	[tilespmem:s12+$0x70] =	vst v1;
	[tilespmem:s15], [sflag:$0x1] =	stream.indirect.gather [hbm4b:s3+s8], $0x1, s12, s8, $0xb8  }
0x24: {  	s12 =	smov.u32 s14;
	v1 =	vld [tilespmem:s14+$0x0]  }
0x25: {  	v2 =	vld [tilespmem:s12+$0x10];
	_ =	sdelay $0x1  }
0x26: {  	v6 =	vld [tilespmem:s12+$0x20]  }
0x27: {  	v8 =	vld [tilespmem:s12+$0x30]  }
0x28: {  	v3 =	vshll.u32 v1, $0x5  }
.Ltmp0:
0x29: {  	v1 =	vand.u32 $0x7F, v1;
	v4 =	vand.u32 $0xFFFFF000, v3;
	v5 =	vshll.u32 v2, $0x5;
	v3 =	vld [tilespmem:s12+$0x40];
	(pc) =	sbr.rel @p0 .LBB2_2-.Ltmp0, $4  }
0x2a: {  	v7 =	vand.u32 $0x7F, v2;
	v1 =	vor.u32 v4, v1;
	v5 =	vand.u32 $0xFFFFF000, v5;
	v2 =	vld [tilespmem:s12+$0x50]  }
0x2b: {  	v4 =	vor.u32 v0, v1;
	v5 =	vor.u32 v5, v7;
	v1 =	vshll.u32 v6, $0x5  }
0x2c: {  	v6 =	vand.u32 $0x7F, v6;
	v1 =	vand.u32 $0xFFFFF000, v1;
	v7 =	vshll.u32 v8, $0x5  }
0x2d: {  	s13 =	sadd.s32 $0x200, s13;
	v8 =	vand.u32 $0x7F, v8;
	v6 =	vor.u32 v1, v6;
	v7 =	vand.u32 $0xFFFFF000, v7;
	v1 =	vld [tilespmem:s12+$0x60]  }
0x2e: {  	v5 =	vor.u32 v0, v5;
	v6 =	vor.u32 v0, v6;
	v7 =	vor.u32 v7, v8;
	v57 =	vld [tilespmem:s12+$0x70]  }
0x2f: {  	v9 =	vshll.u32 v3, $0x5;
	v3 =	vand.u32 $0x7F, v3;
	v10 =	vshll.u32 v2, $0x5  }
0x30: {  	[tilespmem:s12+$0x0] =	vst v4;
	v58 =	vand.u32 $0xFFFFF000, v9;
	v2 =	vand.u32 $0x7F, v2;
	v59 =	vand.u32 $0xFFFFF000, v10  }
0x31: {  	[tilespmem:s12+$0x10] =	vst v5;
	v60 =	vor.u32 v0, v7;
	v3 =	vor.u32 v58, v3;
	v2 =	vor.u32 v59, v2  }
0x32: {  	[tilespmem:s12+$0x20] =	vst v6;
	v3 =	vor.u32 v0, v3;
	v2 =	vor.u32 v0, v2;
	v61 =	vshll.u32 v1, $0x5  }
0x33: {  	[tilespmem:s12+$0x30] =	vst v60;
	v1 =	vand.u32 $0x7F, v1;
	v4 =	vand.u32 $0xFFFFF000, v61;
	v62 =	vshll.u32 v57, $0x5  }
0x34: {  	[tilespmem:s12+$0x40] =	vst v3;
	v63 =	vand.u32 $0x7F, v57;
	v1 =	vor.u32 v4, v1;
	v3 =	vand.u32 $0xFFFFF000, v62  }
0x35: {  	[tilespmem:s12+$0x50] =	vst v2;
	v1 =	vor.u32 v0, v1;
	v2 =	vor.u32 v3, v63  }
0x36: {  	[tilespmem:s12+$0x60] =	vst v1;
	v1 =	vor.u32 v0, v2  }
0x37: {  	s13 =	sadd.s32 $0x4000, s12;
	[tilespmem:s12+$0x70] =	vst v1  }
0x38: {  	[tilespmem:s13], [sflag:$0x1] =	stream.indirect.gather [hbm4b:s3+s8], $0x1, s12, s8, $0xb8;
	[tilespmem:$0x8000] =	vst v63  }
0x39: {  	s11 =	sadd.s32 $0x1, s11;
	_ =	swait.ge [sflag:s9], $0x4000  }
0x3a: {  	p0 =	sne.s32 s11, s6;
	[sflag:s9] =	ssyncset.done $0x0  }
.Ltmp1:
0x3b: {  	[sflag:s9] =	ssyncadd.s32 $0xFFFFC000;
	(pc) =	sbr.rel @p0 .LBB2_1-.Ltmp1, $4  }
0x3c: {  	[hbm4b:s5+s2] =	stream.linear.scatter [tilespmem:s10], [sflag:$0x2], $0x4000, $0x38;
	[tilespmem:$0x8000] =	vst v63  }
0x3d: {  	_ =	swait.ge [sflag:s7], $0x4000  }
0x3e: {  	[sflag:s7] =	ssyncset.done $0x0  }
0x3f: {  	[sflag:s7] =	ssyncadd.s32 $0xFFFFC000  }
0x40: {  	_ =	sfence.sel $0x180000  }
0x41: {  	[bflag:$0x0] =	sbarrier.arrive $0xFFFF  }
0x42: {  	p0 =	sne.s32 s1, $0x0;
	_ =	strace $0x90000047  }
0x43: {  	s0 =	sadd.s32 @!p0 $0x100000, s0;
	[bflag:$0x2] =	sbarrier.arrive $0xFFFF  }
0x44: {  	[sflag:s0] =	ssyncadd.tile.s32 @!p0 $0x1;
	_ =	shalt  }
.Lfunc_end2:
_tile_overlayer_lowered:
.L_overlay_start_2:
0x45: {  	(tag) =	ssettag $0x2  }
0x46: {  	s0 =	rddreg [dreg:$0x0];
	s2 =	stileid.u32  }
0x47: {  	s1 =	rddreg [dreg:$0x1];
	p0 =	sne.s32 s2, $0x0  }
0x48: {  	s3 =	rddreg [dreg:$0x2];
	[bflag:$0x3] =	sbarrier.arrive $0xFFFF;
	s2 =	simm.s32 @!p0 $0x1C02  }
0x49: {  	[timem:s3], [sflag:s2] =	dma.local @!p0 [hbm:s0], s1  }
0x4a: {  	s0 =	simm.s32 @!p0 $0x2  }
0x4b: {  	_ =	swait.ge @!p0 [sflag:s0], s1  }
0x4c: {  	s1 =	ssub.s32 @!p0 $0x0, s1;
	[sflag:s0] =	ssyncset.done @!p0 $0x0  }
0x4d: {  	[sflag:s0] =	ssyncadd.s32 @!p0 s1  }
0x4e: {  	[bflag:$0x3] =	sbarrier.arrive $0xFFFF  }
0x4f: {  	_ =	shalt  }

</sc_bundles>
